<compile_context>
chip_gen: v7x
topology: tpu7x:2x2x1
jax: 0.10.2.dev20260603
libtpu: 0.0.44.dev20260713+nightly
codegen_flags: <defaults>
</compile_context>

<pallas_src>
import functools

import jax
import jax.numpy as jnp
from jax import lax
from jax.experimental import pallas as pl
from jax.experimental.pallas import tpu as pltpu
from jax.experimental.pallas import tpu_sc as plsc

N_NODES = 10000
IN_DIM = 128
HID = 64
BN_EPS = 1e-5

NW = 32
CH = 128
CHUNKS = 80
E_PAD = NW * CHUNKS * CH
N_PAD = 10112
RPT = N_PAD // 16

_sc_mesh = plsc.VectorSubcoreMesh(core_axis_name="c", subcore_axis_name="s")


@functools.partial(
    pl.kernel,
    mesh=_sc_mesh,
    compiler_params=pltpu.CompilerParams(use_tc_tiling_on_sc=False),
    out_type=jax.ShapeDtypeStruct((2, N_PAD, HID), jnp.float32),
    scratch_types=[
        pltpu.VMEM((CHUNKS, CH), jnp.int32),
        pltpu.VMEM((CHUNKS, CH), jnp.int32),
        pltpu.VMEM((CH, HID), jnp.float32),
        pltpu.VMEM((RPT, HID), jnp.float32),
        pltpu.VMEM_SHARED((N_PAD, HID), jnp.float32),
        pltpu.SemaphoreType.DMA,
    ],
)
def _sc_agg(y_hbm, col_hbm, row_hbm, out_hbm,
            col_v, row_v, rows_v, stage_v, acc_sh, sem):
    c = lax.axis_index("c")
    s = lax.axis_index("s")
    wid = s * 2 + c

    zero16 = jnp.zeros((16,), jnp.float32)

    def _zero_row(i, carry):
        for j in range(HID // 16):
            stage_v[i, pl.ds(j * 16, 16)] = zero16
        return carry

    lax.fori_loop(0, RPT, _zero_row, 0)
    pltpu.sync_copy(stage_v, acc_sh.at[pl.ds(s * RPT, RPT)])

    pltpu.sync_copy(col_hbm.at[wid], col_v)
    pltpu.sync_copy(row_hbm.at[wid], row_v)
    plsc.subcore_barrier()

    def _step(j, carry):
        pltpu.async_copy(y_hbm.at[col_v.at[j]], rows_v, sem).wait()
        pltpu.sync_copy(rows_v, acc_sh.at[row_v.at[j]], add=True)
        return carry

    lax.fori_loop(0, CHUNKS, _step, 0)
    plsc.subcore_barrier()

    pltpu.sync_copy(acc_sh.at[pl.ds(s * RPT, RPT)], stage_v)
    pltpu.sync_copy(stage_v, out_hbm.at[c, pl.ds(s * RPT, RPT)])


def _proj_body(x_ref, w_ref, o_ref):
    o_ref[...] = jnp.dot(x_ref[...], w_ref[...],
                         preferred_element_type=jnp.float32)


def _combine_body(y_ref, p0_ref, p1_ref, srow_ref, c1_ref, w2_ref, c2_ref,
                  w1n_ref, o_ref):
    t = y_ref[...] * srow_ref[...] + p0_ref[...] + p1_ref[...] + c1_ref[...]
    t = jnp.maximum(t, 0.0)
    u = jnp.dot(t, w2_ref[...], preferred_element_type=jnp.float32)
    u = jnp.maximum(u + c2_ref[...], 0.0)
    o_ref[...] = jnp.dot(u, w1n_ref[...], preferred_element_type=jnp.float32)


def _combine_last_body(y_ref, p0_ref, p1_ref, srow_ref, c1_ref, w2_ref,
                       c2_ref, o_ref):
    t = y_ref[...] * srow_ref[...] + p0_ref[...] + p1_ref[...] + c1_ref[...]
    t = jnp.maximum(t, 0.0)
    u = jnp.dot(t, w2_ref[...], preferred_element_type=jnp.float32)
    o_ref[...] = u + c2_ref[...]


_BR = 2000
_GRID = N_NODES // _BR


def _row_spec(d):
    return pl.BlockSpec((_BR, d), lambda i: (i, 0))


def _full_spec(r, d):
    return pl.BlockSpec((r, d), lambda i: (0, 0))


def _tc_proj(x, w):
    return pl.pallas_call(
        _proj_body,
        grid=(_GRID,),
        in_specs=[_row_spec(IN_DIM), _full_spec(IN_DIM, HID)],
        out_specs=_row_spec(HID),
        out_shape=jax.ShapeDtypeStruct((N_NODES, HID), jnp.float32),
    )(x, w)


def _tc_combine(y, p0, p1, srow, c1, w2, c2, w1n):
    return pl.pallas_call(
        _combine_body,
        grid=(_GRID,),
        in_specs=[_row_spec(HID), _row_spec(HID), _row_spec(HID),
                  _full_spec(1, HID), _full_spec(1, HID),
                  _full_spec(HID, HID), _full_spec(1, HID),
                  _full_spec(HID, HID)],
        out_specs=_row_spec(HID),
        out_shape=jax.ShapeDtypeStruct((N_NODES, HID), jnp.float32),
    )(y, p0, p1, srow, c1, w2, c2, w1n)


def _tc_combine_last(y, p0, p1, srow, c1, w2, c2):
    return pl.pallas_call(
        _combine_last_body,
        grid=(_GRID,),
        in_specs=[_row_spec(HID), _row_spec(HID), _row_spec(HID),
                  _full_spec(1, HID), _full_spec(1, HID),
                  _full_spec(HID, HID), _full_spec(1, HID)],
        out_specs=_row_spec(HID),
        out_shape=jax.ShapeDtypeStruct((N_NODES, HID), jnp.float32),
    )(y, p0, p1, srow, c1, w2, c2)


def kernel(x, edge_index, params):
    inv = 1.0 / jnp.sqrt(1.0 + BN_EPS)
    folded = []
    for p in params:
        a1 = p["g1"] * inv
        a2 = p["g2"] * inv
        folded.append({
            "W1": p["W1"] * a1[None, :],
            "c1": (p["b1"] * a1 + p["be1"])[None, :],
            "W2": p["W2"] * a2[None, :],
            "c2": (p["b2"] * a2 + p["be2"])[None, :],
            "s": ((1.0 + p["eps"][0]) * jnp.ones((HID,), jnp.float32))[None, :],
        })

    row = edge_index[0]
    col = edge_index[1]
    pad = E_PAD - row.shape[0]
    row3 = jnp.concatenate(
        [row, jnp.full((pad,), N_NODES, jnp.int32)]).reshape(NW, CHUNKS, CH)
    col3 = jnp.concatenate(
        [col, jnp.zeros((pad,), jnp.int32)]).reshape(NW, CHUNKS, CH)

    y = _tc_proj(x, folded[0]["W1"])
    for i, f in enumerate(folded):
        parts = _sc_agg(y, col3, row3)
        p0 = parts[0, :N_NODES]
        p1 = parts[1, :N_NODES]
        if i < len(folded) - 1:
            y = _tc_combine(y, p0, p1, f["s"], f["c1"], f["W2"], f["c2"],
                            folded[i + 1]["W1"])
        else:
            y = _tc_combine_last(y, p0, p1, f["s"], f["c1"], f["W2"], f["c2"])
    return y

# --- scband reference (transcript-rebuilt; emitter-appended) ---
"""Pipeline reference for scband-ginencoder-70849780515148 (READ-ONLY COPY).

The authoritative reference and input builder live on the scoring server;
editing this copy changes nothing except your own understanding.
"""

import jax, jax.numpy as jnp
import numpy as np

IN_DIM = 128
HID = 64
NUM_LAYERS = 3
N_NODES = 10000
N_EDGES = 320000
BN_EPS = 1e-5


def make_params(key):
    params = []
    dims = [(IN_DIM, HID)] + [(HID, HID)] * (NUM_LAYERS - 1)
    for i, (di, do) in enumerate(dims):
        k = jax.random.fold_in(key, i)
        ks = jax.random.split(k, 2)
        p = {
            "W1": jax.random.normal(ks[0], (di, do), dtype=jnp.float32) * (1.0 / np.sqrt(di)),
            "b1": jnp.zeros((do,), dtype=jnp.float32),
            "g1": jnp.ones((do,), dtype=jnp.float32),
            "be1": jnp.zeros((do,), dtype=jnp.float32),
            "W2": jax.random.normal(ks[1], (do, do), dtype=jnp.float32) * (1.0 / np.sqrt(do)),
            "b2": jnp.zeros((do,), dtype=jnp.float32),
            "g2": jnp.ones((do,), dtype=jnp.float32),
            "be2": jnp.zeros((do,), dtype=jnp.float32),
            "eps": jnp.zeros((1,), dtype=jnp.float32),
        }
        params.append(p)
    return params


def setup_inputs(seed: int = 0) -> dict:
    key = jax.random.key(seed)
    kx, ke, kp = jax.random.split(key, 3)
    x = jax.random.normal(kx, (N_NODES, IN_DIM), dtype=jnp.float32)
    edge_index = jax.random.randint(ke, (2, N_EDGES), 0, N_NODES, dtype=jnp.int32)
    params = make_params(kp)
    return {"x": x, "edge_index": edge_index, "params": params}


def _bn_eval(h, g, b):
    # inference-mode BatchNorm1d: running_mean=0, running_var=1
    return (h / jnp.sqrt(1.0 + BN_EPS)) * g + b


def _gin_layer(x, edge_index, p):
    row = edge_index[0]
    col = edge_index[1]
    agg = jnp.zeros_like(x).at[row].add(x[col])
    out = (1.0 + p["eps"]) * x + agg
    h = out @ p["W1"] + p["b1"]
    h = _bn_eval(h, p["g1"], p["be1"])
    h = jax.nn.relu(h)
    h = h @ p["W2"] + p["b2"]
    h = _bn_eval(h, p["g2"], p["be2"])
    return h


def reference(x, edge_index, params):
    h = x
    for i, p in enumerate(params):
        h = _gin_layer(h, edge_index, p)
        if i < NUM_LAYERS - 1:
            h = jax.nn.relu(h)
            # dropout: identity in eval mode
    return h

if __name__ == "__main__":
    import jax
    _d = setup_inputs()
    print(jax.jit(kernel)(*tuple(_d.values())))

</pallas_src>

<mosaic_0001>
#map = affine_map<(d0, d1) -> (0, 0)>
#map1 = affine_map<(d0, d1) -> (0, 0, 0)>
module attributes {stable_mosaic.version = 14 : i64} {
  func.func @_sc_agg(%arg0: i32, %arg1: i32, %arg2: memref<10000x64xf32, #tpu.memory_space<hbm>>, %arg3: memref<32x80x128xi32, #tpu.memory_space<hbm>>, %arg4: memref<32x80x128xi32, #tpu.memory_space<hbm>>, %arg5: memref<2x10112x64xf32, #tpu.memory_space<hbm>>, %arg6: memref<80x128xi32, #tpu.memory_space<vmem>>, %arg7: memref<80x128xi32, #tpu.memory_space<vmem>>, %arg8: memref<128x64xf32, #tpu.memory_space<vmem>>, %arg9: memref<632x64xf32, #tpu.memory_space<vmem>>, %arg10: memref<10112x64xf32, #tpu.memory_space<vmem_shared>>, %arg11: memref<!tpu.dma_semaphore, #tpu.memory_space<semaphore_mem>>) attributes {dimension_semantics = [#tpu.dimension_semantics<core_parallel>, #tpu.dimension_semantics<subcore_parallel>], iteration_bounds = array<i64: 2, 16>, scalar_prefetch = 0 : i64, scratch_operands = 6 : i64, tpu.core_type = #tpu.core_type<sc_vector_subcore>, window_params = [{transform_indices = #map}, {transform_indices = #map1}, {transform_indices = #map1}, {transform_indices = #map1}]} {
    %mul3A = arith.constant 2 : i32
    %mul3A_0 = arith.muli %arg1, %mul3A : i32
    %add3A = arith.addi %mul3A_0, %arg0 : i32
    %broadcast_in_dim3A = arith.constant 0.000000e+00 : f32
    %broadcast_in_dim3A_1 = vector.broadcast %broadcast_in_dim3A : f32 to vector<16xf32>
    %scan3A = arith.constant 0 : i32
    %scan3A_2 = arith.constant 0 : i32
    %scan3A_3 = arith.constant 632 : i32
    %scan3A_4 = arith.addi %scan3A_2, %scan3A_3 : i32
    %scan3A_5 = arith.constant 1 : i32
    scf.for %scan3A_20 = %scan3A_2 to %scan3A_4 step %scan3A_5  : i32 {
      %swap3A = arith.index_cast %scan3A_20 : i32 to index
      %swap3A_21 = arith.constant 0 : index
      %swap3A_22 = tpu.vector_load %arg9[%swap3A, %swap3A_21] {strides = array<i32>} : memref<632x64xf32, #tpu.memory_space<vmem>>, vector<1x16xf32>,
      %swap3A_23 = vector.shape_cast %swap3A_22 : vector<1x16xf32> to vector<16xf32>
      %swap3A_24 = vector.shape_cast %broadcast_in_dim3A_1 : vector<16xf32> to vector<1x16xf32>
      tpu.vector_store %arg9[%swap3A, %swap3A_21], %swap3A_24 {strides = array<i32>} : memref<632x64xf32, #tpu.memory_space<vmem>>, vector<1x16xf32>,
      %swap3A_25 = arith.index_cast %scan3A_20 : i32 to index
      %swap3A_26 = arith.constant 16 : index
      %swap3A_27 = tpu.vector_load %arg9[%swap3A_25, %swap3A_26] {strides = array<i32>} : memref<632x64xf32, #tpu.memory_space<vmem>>, vector<1x16xf32>,
      %swap3A_28 = vector.shape_cast %swap3A_27 : vector<1x16xf32> to vector<16xf32>
      %swap3A_29 = vector.shape_cast %broadcast_in_dim3A_1 : vector<16xf32> to vector<1x16xf32>
      tpu.vector_store %arg9[%swap3A_25, %swap3A_26], %swap3A_29 {strides = array<i32>} : memref<632x64xf32, #tpu.memory_space<vmem>>, vector<1x16xf32>,
      %swap3A_30 = arith.index_cast %scan3A_20 : i32 to index
      %swap3A_31 = arith.constant 32 : index
      %swap3A_32 = tpu.vector_load %arg9[%swap3A_30, %swap3A_31] {strides = array<i32>} : memref<632x64xf32, #tpu.memory_space<vmem>>, vector<1x16xf32>,
      %swap3A_33 = vector.shape_cast %swap3A_32 : vector<1x16xf32> to vector<16xf32>
      %swap3A_34 = vector.shape_cast %broadcast_in_dim3A_1 : vector<16xf32> to vector<1x16xf32>
      tpu.vector_store %arg9[%swap3A_30, %swap3A_31], %swap3A_34 {strides = array<i32>} : memref<632x64xf32, #tpu.memory_space<vmem>>, vector<1x16xf32>,
      %swap3A_35 = arith.index_cast %scan3A_20 : i32 to index
      %swap3A_36 = arith.constant 48 : index
      %swap3A_37 = tpu.vector_load %arg9[%swap3A_35, %swap3A_36] {strides = array<i32>} : memref<632x64xf32, #tpu.memory_space<vmem>>, vector<1x16xf32>,
      %swap3A_38 = vector.shape_cast %swap3A_37 : vector<1x16xf32> to vector<16xf32>
      %swap3A_39 = vector.shape_cast %broadcast_in_dim3A_1 : vector<16xf32> to vector<1x16xf32>
      tpu.vector_store %arg9[%swap3A_35, %swap3A_36], %swap3A_39 {strides = array<i32>} : memref<632x64xf32, #tpu.memory_space<vmem>>, vector<1x16xf32>,
    }
    %scan3A_6 = arith.constant 632 : i32
    %mul3A_7 = arith.constant 632 : i32
    %mul3A_8 = arith.muli %arg1, %mul3A_7 : i32
    "tpu.region"() ({
      %run_scoped3A = tpu.sem_alloc : memref<!tpu.dma_semaphore, #tpu.memory_space<semaphore_mem>>
      %dma_start3A = arith.constant 0 : i32
      %dma_start3A_20 = tpu.memref_slice %arg10[%mul3A_8, %dma_start3A] : memref<10112x64xf32, #tpu.memory_space<vmem_shared>> -> memref<632x64xf32, #tpu.memory_space<vmem_shared>>
      %dma_start3A_21 = arith.constant 0 : i32
      %dma_start3A_22 = tpu.memref_slice %arg10[%mul3A_8, %dma_start3A_21] : memref<10112x64xf32, #tpu.memory_space<vmem_shared>> -> memref<632x64xf32, #tpu.memory_space<vmem_shared>>
      tpu.enqueue_dma source(%arg9 : memref<632x64xf32, #tpu.memory_space<vmem>>) target(%dma_start3A_22 : memref<632x64xf32, #tpu.memory_space<vmem_shared>>) target_semaphore(%run_scoped3A : memref<!tpu.dma_semaphore, #tpu.memory_space<semaphore_mem>>)
      %dma_wait3A = arith.constant 0 : i32
      %dma_wait3A_23 = tpu.memref_slice %arg10[%mul3A_8, %dma_wait3A] : memref<10112x64xf32, #tpu.memory_space<vmem_shared>> -> memref<632x64xf32, #tpu.memory_space<vmem_shared>>
      %dma_wait3A_24 = arith.constant 0 : i32
      %dma_wait3A_25 = tpu.memref_slice %arg10[%mul3A_8, %dma_wait3A_24] : memref<10112x64xf32, #tpu.memory_space<vmem_shared>> -> memref<632x64xf32, #tpu.memory_space<vmem_shared>>
      tpu.wait_dma2 semaphore(%run_scoped3A : memref<!tpu.dma_semaphore, #tpu.memory_space<semaphore_mem>>) src(%arg9 : memref<632x64xf32, #tpu.memory_space<vmem>>) dst(%dma_wait3A_25 : memref<632x64xf32, #tpu.memory_space<vmem_shared>>)
      tpu.yield
    }) : () -> ()
    "tpu.region"() ({
      %run_scoped3A = tpu.sem_alloc : memref<!tpu.dma_semaphore, #tpu.memory_space<semaphore_mem>>
      %dma_start3A = arith.constant 0 : i32
      %dma_start3A_20 = arith.constant 0 : i32
      %dma_start3A_21 = tpu.memref_slice %arg3[%add3A, %dma_start3A, %dma_start3A_20] : memref<32x80x128xi32, #tpu.memory_space<hbm>> -> memref<1x80x128xi32, #tpu.memory_space<hbm>>
      %dma_start3A_22 = tpu.memref_squeeze %dma_start3A_21 : memref<1x80x128xi32, #tpu.memory_space<hbm>> -> memref<80x128xi32, #tpu.memory_space<hbm>>
      %dma_start3A_23 = arith.constant 0 : i32
      %dma_start3A_24 = arith.constant 0 : i32
      %dma_start3A_25 = tpu.memref_slice %arg3[%add3A, %dma_start3A_23, %dma_start3A_24] : memref<32x80x128xi32, #tpu.memory_space<hbm>> -> memref<1x80x128xi32, #tpu.memory_space<hbm>>
      %dma_start3A_26 = tpu.memref_squeeze %dma_start3A_25 : memref<1x80x128xi32, #tpu.memory_space<hbm>> -> memref<80x128xi32, #tpu.memory_space<hbm>>
      tpu.enqueue_dma source(%dma_start3A_26 : memref<80x128xi32, #tpu.memory_space<hbm>>) target(%arg6 : memref<80x128xi32, #tpu.memory_space<vmem>>) target_semaphore(%run_scoped3A : memref<!tpu.dma_semaphore, #tpu.memory_space<semaphore_mem>>)
      %dma_wait3A = arith.constant 0 : i32
      %dma_wait3A_27 = arith.constant 0 : i32
      %dma_wait3A_28 = tpu.memref_slice %arg3[%add3A, %dma_wait3A, %dma_wait3A_27] : memref<32x80x128xi32, #tpu.memory_space<hbm>> -> memref<1x80x128xi32, #tpu.memory_space<hbm>>
      %dma_wait3A_29 = tpu.memref_squeeze %dma_wait3A_28 : memref<1x80x128xi32, #tpu.memory_space<hbm>> -> memref<80x128xi32, #tpu.memory_space<hbm>>
      %dma_wait3A_30 = arith.constant 0 : i32
      %dma_wait3A_31 = arith.constant 0 : i32
      %dma_wait3A_32 = tpu.memref_slice %arg3[%add3A, %dma_wait3A_30, %dma_wait3A_31] : memref<32x80x128xi32, #tpu.memory_space<hbm>> -> memref<1x80x128xi32, #tpu.memory_space<hbm>>
      %dma_wait3A_33 = tpu.memref_squeeze %dma_wait3A_32 : memref<1x80x128xi32, #tpu.memory_space<hbm>> -> memref<80x128xi32, #tpu.memory_space<hbm>>
      tpu.wait_dma2 semaphore(%run_scoped3A : memref<!tpu.dma_semaphore, #tpu.memory_space<semaphore_mem>>) src(%dma_wait3A_33 : memref<80x128xi32, #tpu.memory_space<hbm>>) dst(%arg6 : memref<80x128xi32, #tpu.memory_space<vmem>>)
      tpu.yield
    }) : () -> ()
    "tpu.region"() ({
      %run_scoped3A = tpu.sem_alloc : memref<!tpu.dma_semaphore, #tpu.memory_space<semaphore_mem>>
      %dma_start3A = arith.constant 0 : i32
      %dma_start3A_20 = arith.constant 0 : i32
      %dma_start3A_21 = tpu.memref_slice %arg4[%add3A, %dma_start3A, %dma_start3A_20] : memref<32x80x128xi32, #tpu.memory_space<hbm>> -> memref<1x80x128xi32, #tpu.memory_space<hbm>>
      %dma_start3A_22 = tpu.memref_squeeze %dma_start3A_21 : memref<1x80x128xi32, #tpu.memory_space<hbm>> -> memref<80x128xi32, #tpu.memory_space<hbm>>
      %dma_start3A_23 = arith.constant 0 : i32
      %dma_start3A_24 = arith.constant 0 : i32
      %dma_start3A_25 = tpu.memref_slice %arg4[%add3A, %dma_start3A_23, %dma_start3A_24] : memref<32x80x128xi32, #tpu.memory_space<hbm>> -> memref<1x80x128xi32, #tpu.memory_space<hbm>>
      %dma_start3A_26 = tpu.memref_squeeze %dma_start3A_25 : memref<1x80x128xi32, #tpu.memory_space<hbm>> -> memref<80x128xi32, #tpu.memory_space<hbm>>
      tpu.enqueue_dma source(%dma_start3A_26 : memref<80x128xi32, #tpu.memory_space<hbm>>) target(%arg7 : memref<80x128xi32, #tpu.memory_space<vmem>>) target_semaphore(%run_scoped3A : memref<!tpu.dma_semaphore, #tpu.memory_space<semaphore_mem>>)
      %dma_wait3A = arith.constant 0 : i32
      %dma_wait3A_27 = arith.constant 0 : i32
      %dma_wait3A_28 = tpu.memref_slice %arg4[%add3A, %dma_wait3A, %dma_wait3A_27] : memref<32x80x128xi32, #tpu.memory_space<hbm>> -> memref<1x80x128xi32, #tpu.memory_space<hbm>>
      %dma_wait3A_29 = tpu.memref_squeeze %dma_wait3A_28 : memref<1x80x128xi32, #tpu.memory_space<hbm>> -> memref<80x128xi32, #tpu.memory_space<hbm>>
      %dma_wait3A_30 = arith.constant 0 : i32
      %dma_wait3A_31 = arith.constant 0 : i32
      %dma_wait3A_32 = tpu.memref_slice %arg4[%add3A, %dma_wait3A_30, %dma_wait3A_31] : memref<32x80x128xi32, #tpu.memory_space<hbm>> -> memref<1x80x128xi32, #tpu.memory_space<hbm>>
      %dma_wait3A_33 = tpu.memref_squeeze %dma_wait3A_32 : memref<1x80x128xi32, #tpu.memory_space<hbm>> -> memref<80x128xi32, #tpu.memory_space<hbm>>
      tpu.wait_dma2 semaphore(%run_scoped3A : memref<!tpu.dma_semaphore, #tpu.memory_space<semaphore_mem>>) src(%dma_wait3A_33 : memref<80x128xi32, #tpu.memory_space<hbm>>) dst(%arg7 : memref<80x128xi32, #tpu.memory_space<vmem>>)
      tpu.yield
    }) : () -> ()
    %barrier3A = arith.constant 0 : index
    tpu.barrier barrier_id(%barrier3A)
    %scan3A_9 = arith.constant 0 : i32
    %scan3A_10 = arith.constant 0 : i32
    %scan3A_11 = arith.constant 80 : i32
    %scan3A_12 = arith.addi %scan3A_10, %scan3A_11 : i32
    %scan3A_13 = arith.constant 1 : i32
    scf.for %scan3A_20 = %scan3A_10 to %scan3A_12 step %scan3A_13  : i32 {
      %dma_start3A = arith.constant 0 : i32
      %dma_start3A_21 = tpu.memref_slice %arg6[%scan3A_20, %dma_start3A] : memref<80x128xi32, #tpu.memory_space<vmem>> -> memref<1x128xi32, #tpu.memory_space<vmem>>
      %dma_start3A_22 = tpu.memref_squeeze %dma_start3A_21 : memref<1x128xi32, #tpu.memory_space<vmem>> -> memref<128xi32, #tpu.memory_space<vmem>>
      %dma_start3A_23 = arith.constant 0 : i32
      %dma_start3A_24 = arith.constant 0 : i32
      %dma_start3A_25 = tpu.memref_slice %arg2[%dma_start3A_23, %dma_start3A_24] : memref<10000x64xf32, #tpu.memory_space<hbm>> -> memref<10000x64xf32, #tpu.memory_space<hbm>>
      tpu.enqueue_indirect_dma source(%dma_start3A_25 : memref<10000x64xf32, #tpu.memory_space<hbm>>) target(%arg8 : memref<128x64xf32, #tpu.memory_space<vmem>>) offsets(%dma_start3A_22 : memref<128xi32, #tpu.memory_space<vmem>>) semaphore(%arg11 : memref<!tpu.dma_semaphore, #tpu.memory_space<semaphore_mem>>)
      %dma_wait3A = arith.constant 0 : i32
      %dma_wait3A_26 = tpu.memref_slice %arg6[%scan3A_20, %dma_wait3A] : memref<80x128xi32, #tpu.memory_space<vmem>> -> memref<1x128xi32, #tpu.memory_space<vmem>>
      %dma_wait3A_27 = tpu.memref_squeeze %dma_wait3A_26 : memref<1x128xi32, #tpu.memory_space<vmem>> -> memref<128xi32, #tpu.memory_space<vmem>>
      %dma_wait3A_28 = arith.constant 0 : i32
      %dma_wait3A_29 = arith.constant 0 : i32
      %dma_wait3A_30 = tpu.memref_slice %arg2[%dma_wait3A_28, %dma_wait3A_29] : memref<10000x64xf32, #tpu.memory_space<hbm>> -> memref<10000x64xf32, #tpu.memory_space<hbm>>
      tpu.wait_indirect_dma semaphore(%arg11 : memref<!tpu.dma_semaphore, #tpu.memory_space<semaphore_mem>>) src(%dma_wait3A_30 : memref<10000x64xf32, #tpu.memory_space<hbm>>) dst(%arg8 : memref<128x64xf32, #tpu.memory_space<vmem>>)
      "tpu.region"() ({
        %run_scoped3A = tpu.sem_alloc : memref<!tpu.dma_semaphore, #tpu.memory_space<semaphore_mem>>
        %dma_start3A_31 = arith.constant 0 : i32
        %dma_start3A_32 = tpu.memref_slice %arg7[%scan3A_20, %dma_start3A_31] : memref<80x128xi32, #tpu.memory_space<vmem>> -> memref<1x128xi32, #tpu.memory_space<vmem>>
        %dma_start3A_33 = tpu.memref_squeeze %dma_start3A_32 : memref<1x128xi32, #tpu.memory_space<vmem>> -> memref<128xi32, #tpu.memory_space<vmem>>
        %dma_start3A_34 = arith.constant 0 : i32
        %dma_start3A_35 = arith.constant 0 : i32
        %dma_start3A_36 = tpu.memref_slice %arg10[%dma_start3A_34, %dma_start3A_35] : memref<10112x64xf32, #tpu.memory_space<vmem_shared>> -> memref<10112x64xf32, #tpu.memory_space<vmem_shared>>
        tpu.enqueue_indirect_dma source(%arg8 : memref<128x64xf32, #tpu.memory_space<vmem>>) target(%dma_start3A_36 : memref<10112x64xf32, #tpu.memory_space<vmem_shared>>) offsets(%dma_start3A_33 : memref<128xi32, #tpu.memory_space<vmem>>) semaphore(%run_scoped3A : memref<!tpu.dma_semaphore, #tpu.memory_space<semaphore_mem>>) {add = true}
        %dma_wait3A_37 = arith.constant 0 : i32
        %dma_wait3A_38 = tpu.memref_slice %arg7[%scan3A_20, %dma_wait3A_37] : memref<80x128xi32, #tpu.memory_space<vmem>> -> memref<1x128xi32, #tpu.memory_space<vmem>>
        %dma_wait3A_39 = tpu.memref_squeeze %dma_wait3A_38 : memref<1x128xi32, #tpu.memory_space<vmem>> -> memref<128xi32, #tpu.memory_space<vmem>>
        %dma_wait3A_40 = arith.constant 0 : i32
        %dma_wait3A_41 = arith.constant 0 : i32
        %dma_wait3A_42 = tpu.memref_slice %arg10[%dma_wait3A_40, %dma_wait3A_41] : memref<10112x64xf32, #tpu.memory_space<vmem_shared>> -> memref<10112x64xf32, #tpu.memory_space<vmem_shared>>
        tpu.wait_indirect_dma semaphore(%run_scoped3A : memref<!tpu.dma_semaphore, #tpu.memory_space<semaphore_mem>>) src(%arg8 : memref<128x64xf32, #tpu.memory_space<vmem>>) dst(%dma_wait3A_42 : memref<10112x64xf32, #tpu.memory_space<vmem_shared>>)
        tpu.yield
      }) : () -> ()
    }
    %scan3A_14 = arith.constant 80 : i32
    %barrier3A_15 = arith.constant 0 : index
    tpu.barrier barrier_id(%barrier3A_15)
    %mul3A_16 = arith.constant 632 : i32
    %mul3A_17 = arith.muli %arg1, %mul3A_16 : i32
    "tpu.region"() ({
      %run_scoped3A = tpu.sem_alloc : memref<!tpu.dma_semaphore, #tpu.memory_space<semaphore_mem>>
      %dma_start3A = arith.constant 0 : i32
      %dma_start3A_20 = tpu.memref_slice %arg10[%mul3A_17, %dma_start3A] : memref<10112x64xf32, #tpu.memory_space<vmem_shared>> -> memref<632x64xf32, #tpu.memory_space<vmem_shared>>
      %dma_start3A_21 = arith.constant 0 : i32
      %dma_start3A_22 = tpu.memref_slice %arg10[%mul3A_17, %dma_start3A_21] : memref<10112x64xf32, #tpu.memory_space<vmem_shared>> -> memref<632x64xf32, #tpu.memory_space<vmem_shared>>
      tpu.enqueue_dma source(%dma_start3A_22 : memref<632x64xf32, #tpu.memory_space<vmem_shared>>) target(%arg9 : memref<632x64xf32, #tpu.memory_space<vmem>>) target_semaphore(%run_scoped3A : memref<!tpu.dma_semaphore, #tpu.memory_space<semaphore_mem>>)
      %dma_wait3A = arith.constant 0 : i32
      %dma_wait3A_23 = tpu.memref_slice %arg10[%mul3A_17, %dma_wait3A] : memref<10112x64xf32, #tpu.memory_space<vmem_shared>> -> memref<632x64xf32, #tpu.memory_space<vmem_shared>>
      %dma_wait3A_24 = arith.constant 0 : i32
      %dma_wait3A_25 = tpu.memref_slice %arg10[%mul3A_17, %dma_wait3A_24] : memref<10112x64xf32, #tpu.memory_space<vmem_shared>> -> memref<632x64xf32, #tpu.memory_space<vmem_shared>>
      tpu.wait_dma2 semaphore(%run_scoped3A : memref<!tpu.dma_semaphore, #tpu.memory_space<semaphore_mem>>) src(%dma_wait3A_25 : memref<632x64xf32, #tpu.memory_space<vmem_shared>>) dst(%arg9 : memref<632x64xf32, #tpu.memory_space<vmem>>)
      tpu.yield
    }) : () -> ()
    %mul3A_18 = arith.constant 632 : i32
    %mul3A_19 = arith.muli %arg1, %mul3A_18 : i32
    "tpu.region"() ({
      %run_scoped3A = tpu.sem_alloc : memref<!tpu.dma_semaphore, #tpu.memory_space<semaphore_mem>>
      %dma_start3A = arith.constant 0 : i32
      %dma_start3A_20 = tpu.memref_slice %arg5[%arg0, %mul3A_19, %dma_start3A] : memref<2x10112x64xf32, #tpu.memory_space<hbm>> -> memref<1x632x64xf32, #tpu.memory_space<hbm>>
      %dma_start3A_21 = tpu.memref_squeeze %dma_start3A_20 : memref<1x632x64xf32, #tpu.memory_space<hbm>> -> memref<632x64xf32, #tpu.memory_space<hbm>>
      %dma_start3A_22 = arith.constant 0 : i32
      %dma_start3A_23 = tpu.memref_slice %arg5[%arg0, %mul3A_19, %dma_start3A_22] : memref<2x10112x64xf32, #tpu.memory_space<hbm>> -> memref<1x632x64xf32, #tpu.memory_space<hbm>>
      %dma_start3A_24 = tpu.memref_squeeze %dma_start3A_23 : memref<1x632x64xf32, #tpu.memory_space<hbm>> -> memref<632x64xf32, #tpu.memory_space<hbm>>
      tpu.enqueue_dma source(%arg9 : memref<632x64xf32, #tpu.memory_space<vmem>>) target(%dma_start3A_24 : memref<632x64xf32, #tpu.memory_space<hbm>>) target_semaphore(%run_scoped3A : memref<!tpu.dma_semaphore, #tpu.memory_space<semaphore_mem>>)
      %dma_wait3A = arith.constant 0 : i32
      %dma_wait3A_25 = tpu.memref_slice %arg5[%arg0, %mul3A_19, %dma_wait3A] : memref<2x10112x64xf32, #tpu.memory_space<hbm>> -> memref<1x632x64xf32, #tpu.memory_space<hbm>>
      %dma_wait3A_26 = tpu.memref_squeeze %dma_wait3A_25 : memref<1x632x64xf32, #tpu.memory_space<hbm>> -> memref<632x64xf32, #tpu.memory_space<hbm>>
      %dma_wait3A_27 = arith.constant 0 : i32
      %dma_wait3A_28 = tpu.memref_slice %arg5[%arg0, %mul3A_19, %dma_wait3A_27] : memref<2x10112x64xf32, #tpu.memory_space<hbm>> -> memref<1x632x64xf32, #tpu.memory_space<hbm>>
      %dma_wait3A_29 = tpu.memref_squeeze %dma_wait3A_28 : memref<1x632x64xf32, #tpu.memory_space<hbm>> -> memref<632x64xf32, #tpu.memory_space<hbm>>
      tpu.wait_dma2 semaphore(%run_scoped3A : memref<!tpu.dma_semaphore, #tpu.memory_space<semaphore_mem>>) src(%arg9 : memref<632x64xf32, #tpu.memory_space<vmem>>) dst(%dma_wait3A_29 : memref<632x64xf32, #tpu.memory_space<hbm>>)
      tpu.yield
    }) : () -> ()
    return
  }
}

#map = affine_map<(d0, d1) -> (0, 0)>
#map1 = affine_map<(d0, d1) -> (0, 0, 0)>
module attributes {stable_mosaic.version = 14 : i64} {
  func.func @_sc_agg(%arg0: i32, %arg1: i32, %arg2: memref<10000x64xf32, #tpu.memory_space<hbm>>, %arg3: memref<32x80x128xi32, #tpu.memory_space<hbm>>, %arg4: memref<32x80x128xi32, #tpu.memory_space<hbm>>, %arg5: memref<2x10112x64xf32, #tpu.memory_space<hbm>>, %arg6: memref<80x128xi32, #tpu.memory_space<vmem>>, %arg7: memref<80x128xi32, #tpu.memory_space<vmem>>, %arg8: memref<128x64xf32, #tpu.memory_space<vmem>>, %arg9: memref<632x64xf32, #tpu.memory_space<vmem>>, %arg10: memref<10112x64xf32, #tpu.memory_space<vmem_shared>>, %arg11: memref<!tpu.dma_semaphore, #tpu.memory_space<semaphore_mem>>) attributes {dimension_semantics = [#tpu.dimension_semantics<core_parallel>, #tpu.dimension_semantics<subcore_parallel>], iteration_bounds = array<i64: 2, 16>, scalar_prefetch = 0 : i64, scratch_operands = 6 : i64, tpu.core_type = #tpu.core_type<sc_vector_subcore>, window_params = [{transform_indices = #map}, {transform_indices = #map1}, {transform_indices = #map1}, {transform_indices = #map1}]} {
    %mul3A = arith.constant 2 : i32
    %mul3A_0 = arith.muli %arg1, %mul3A : i32
    %add3A = arith.addi %mul3A_0, %arg0 : i32
    %broadcast_in_dim3A = arith.constant 0.000000e+00 : f32
    %broadcast_in_dim3A_1 = vector.broadcast %broadcast_in_dim3A : f32 to vector<16xf32>
    %scan3A = arith.constant 0 : i32
    %scan3A_2 = arith.constant 0 : i32
    %scan3A_3 = arith.constant 632 : i32
    %scan3A_4 = arith.addi %scan3A_2, %scan3A_3 : i32
    %scan3A_5 = arith.constant 1 : i32
    scf.for %scan3A_20 = %scan3A_2 to %scan3A_4 step %scan3A_5  : i32 {
      %swap3A = arith.index_cast %scan3A_20 : i32 to index
      %swap3A_21 = arith.constant 0 : index
      %swap3A_22 = tpu.vector_load %arg9[%swap3A, %swap3A_21] {strides = array<i32>} : memref<632x64xf32, #tpu.memory_space<vmem>>, vector<1x16xf32>,
      %swap3A_23 = vector.shape_cast %swap3A_22 : vector<1x16xf32> to vector<16xf32>
      %swap3A_24 = vector.shape_cast %broadcast_in_dim3A_1 : vector<16xf32> to vector<1x16xf32>
      tpu.vector_store %arg9[%swap3A, %swap3A_21], %swap3A_24 {strides = array<i32>} : memref<632x64xf32, #tpu.memory_space<vmem>>, vector<1x16xf32>,
      %swap3A_25 = arith.index_cast %scan3A_20 : i32 to index
      %swap3A_26 = arith.constant 16 : index
      %swap3A_27 = tpu.vector_load %arg9[%swap3A_25, %swap3A_26] {strides = array<i32>} : memref<632x64xf32, #tpu.memory_space<vmem>>, vector<1x16xf32>,
      %swap3A_28 = vector.shape_cast %swap3A_27 : vector<1x16xf32> to vector<16xf32>
      %swap3A_29 = vector.shape_cast %broadcast_in_dim3A_1 : vector<16xf32> to vector<1x16xf32>
      tpu.vector_store %arg9[%swap3A_25, %swap3A_26], %swap3A_29 {strides = array<i32>} : memref<632x64xf32, #tpu.memory_space<vmem>>, vector<1x16xf32>,
      %swap3A_30 = arith.index_cast %scan3A_20 : i32 to index
      %swap3A_31 = arith.constant 32 : index
      %swap3A_32 = tpu.vector_load %arg9[%swap3A_30, %swap3A_31] {strides = array<i32>} : memref<632x64xf32, #tpu.memory_space<vmem>>, vector<1x16xf32>,
      %swap3A_33 = vector.shape_cast %swap3A_32 : vector<1x16xf32> to vector<16xf32>
      %swap3A_34 = vector.shape_cast %broadcast_in_dim3A_1 : vector<16xf32> to vector<1x16xf32>
      tpu.vector_store %arg9[%swap3A_30, %swap3A_31], %swap3A_34 {strides = array<i32>} : memref<632x64xf32, #tpu.memory_space<vmem>>, vector<1x16xf32>,
      %swap3A_35 = arith.index_cast %scan3A_20 : i32 to index
      %swap3A_36 = arith.constant 48 : index
      %swap3A_37 = tpu.vector_load %arg9[%swap3A_35, %swap3A_36] {strides = array<i32>} : memref<632x64xf32, #tpu.memory_space<vmem>>, vector<1x16xf32>,
      %swap3A_38 = vector.shape_cast %swap3A_37 : vector<1x16xf32> to vector<16xf32>
      %swap3A_39 = vector.shape_cast %broadcast_in_dim3A_1 : vector<16xf32> to vector<1x16xf32>
      tpu.vector_store %arg9[%swap3A_35, %swap3A_36], %swap3A_39 {strides = array<i32>} : memref<632x64xf32, #tpu.memory_space<vmem>>, vector<1x16xf32>,
    }
    %scan3A_6 = arith.constant 632 : i32
    %mul3A_7 = arith.constant 632 : i32
    %mul3A_8 = arith.muli %arg1, %mul3A_7 : i32
    "tpu.region"() ({
      %run_scoped3A = tpu.sem_alloc : memref<!tpu.dma_semaphore, #tpu.memory_space<semaphore_mem>>
      %dma_start3A = arith.constant 0 : i32
      %dma_start3A_20 = tpu.memref_slice %arg10[%mul3A_8, %dma_start3A] : memref<10112x64xf32, #tpu.memory_space<vmem_shared>> -> memref<632x64xf32, #tpu.memory_space<vmem_shared>>
      %dma_start3A_21 = arith.constant 0 : i32
      %dma_start3A_22 = tpu.memref_slice %arg10[%mul3A_8, %dma_start3A_21] : memref<10112x64xf32, #tpu.memory_space<vmem_shared>> -> memref<632x64xf32, #tpu.memory_space<vmem_shared>>
      tpu.enqueue_dma source(%arg9 : memref<632x64xf32, #tpu.memory_space<vmem>>) target(%dma_start3A_22 : memref<632x64xf32, #tpu.memory_space<vmem_shared>>) target_semaphore(%run_scoped3A : memref<!tpu.dma_semaphore, #tpu.memory_space<semaphore_mem>>)
      %dma_wait3A = arith.constant 0 : i32
      %dma_wait3A_23 = tpu.memref_slice %arg10[%mul3A_8, %dma_wait3A] : memref<10112x64xf32, #tpu.memory_space<vmem_shared>> -> memref<632x64xf32, #tpu.memory_space<vmem_shared>>
      %dma_wait3A_24 = arith.constant 0 : i32
      %dma_wait3A_25 = tpu.memref_slice %arg10[%mul3A_8, %dma_wait3A_24] : memref<10112x64xf32, #tpu.memory_space<vmem_shared>> -> memref<632x64xf32, #tpu.memory_space<vmem_shared>>
      tpu.wait_dma2 semaphore(%run_scoped3A : memref<!tpu.dma_semaphore, #tpu.memory_space<semaphore_mem>>) src(%arg9 : memref<632x64xf32, #tpu.memory_space<vmem>>) dst(%dma_wait3A_25 : memref<632x64xf32, #tpu.memory_space<vmem_shared>>)
      tpu.yield
    }) : () -> ()
    "tpu.region"() ({
      %run_scoped3A = tpu.sem_alloc : memref<!tpu.dma_semaphore, #tpu.memory_space<semaphore_mem>>
      %dma_start3A = arith.constant 0 : i32
      %dma_start3A_20 = arith.constant 0 : i32
      %dma_start3A_21 = tpu.memref_slice %arg3[%add3A, %dma_start3A, %dma_start3A_20] : memref<32x80x128xi32, #tpu.memory_space<hbm>> -> memref<1x80x128xi32, #tpu.memory_space<hbm>>
      %dma_start3A_22 = tpu.memref_squeeze %dma_start3A_21 : memref<1x80x128xi32, #tpu.memory_space<hbm>> -> memref<80x128xi32, #tpu.memory_space<hbm>>
      %dma_start3A_23 = arith.constant 0 : i32
      %dma_start3A_24 = arith.constant 0 : i32
      %dma_start3A_25 = tpu.memref_slice %arg3[%add3A, %dma_start3A_23, %dma_start3A_24] : memref<32x80x128xi32, #tpu.memory_space<hbm>> -> memref<1x80x128xi32, #tpu.memory_space<hbm>>
      %dma_start3A_26 = tpu.memref_squeeze %dma_start3A_25 : memref<1x80x128xi32, #tpu.memory_space<hbm>> -> memref<80x128xi32, #tpu.memory_space<hbm>>
      tpu.enqueue_dma source(%dma_start3A_26 : memref<80x128xi32, #tpu.memory_space<hbm>>) target(%arg6 : memref<80x128xi32, #tpu.memory_space<vmem>>) target_semaphore(%run_scoped3A : memref<!tpu.dma_semaphore, #tpu.memory_space<semaphore_mem>>)
      %dma_wait3A = arith.constant 0 : i32
      %dma_wait3A_27 = arith.constant 0 : i32
      %dma_wait3A_28 = tpu.memref_slice %arg3[%add3A, %dma_wait3A, %dma_wait3A_27] : memref<32x80x128xi32, #tpu.memory_space<hbm>> -> memref<1x80x128xi32, #tpu.memory_space<hbm>>
      %dma_wait3A_29 = tpu.memref_squeeze %dma_wait3A_28 : memref<1x80x128xi32, #tpu.memory_space<hbm>> -> memref<80x128xi32, #tpu.memory_space<hbm>>
      %dma_wait3A_30 = arith.constant 0 : i32
      %dma_wait3A_31 = arith.constant 0 : i32
      %dma_wait3A_32 = tpu.memref_slice %arg3[%add3A, %dma_wait3A_30, %dma_wait3A_31] : memref<32x80x128xi32, #tpu.memory_space<hbm>> -> memref<1x80x128xi32, #tpu.memory_space<hbm>>
      %dma_wait3A_33 = tpu.memref_squeeze %dma_wait3A_32 : memref<1x80x128xi32, #tpu.memory_space<hbm>> -> memref<80x128xi32, #tpu.memory_space<hbm>>
      tpu.wait_dma2 semaphore(%run_scoped3A : memref<!tpu.dma_semaphore, #tpu.memory_space<semaphore_mem>>) src(%dma_wait3A_33 : memref<80x128xi32, #tpu.memory_space<hbm>>) dst(%arg6 : memref<80x128xi32, #tpu.memory_space<vmem>>)
      tpu.yield
    }) : () -> ()
    "tpu.region"() ({
      %run_scoped3A = tpu.sem_alloc : memref<!tpu.dma_semaphore, #tpu.memory_space<semaphore_mem>>
      %dma_start3A = arith.constant 0 : i32
      %dma_start3A_20 = arith.constant 0 : i32
      %dma_start3A_21 = tpu.memref_slice %arg4[%add3A, %dma_start3A, %dma_start3A_20] : memref<32x80x128xi32, #tpu.memory_space<hbm>> -> memref<1x80x128xi32, #tpu.memory_space<hbm>>
      %dma_start3A_22 = tpu.memref_squeeze %dma_start3A_21 : memref<1x80x128xi32, #tpu.memory_space<hbm>> -> memref<80x128xi32, #tpu.memory_space<hbm>>
      %dma_start3A_23 = arith.constant 0 : i32
      %dma_start3A_24 = arith.constant 0 : i32
      %dma_start3A_25 = tpu.memref_slice %arg4[%add3A, %dma_start3A_23, %dma_start3A_24] : memref<32x80x128xi32, #tpu.memory_space<hbm>> -> memref<1x80x128xi32, #tpu.memory_space<hbm>>
      %dma_start3A_26 = tpu.memref_squeeze %dma_start3A_25 : memref<1x80x128xi32, #tpu.memory_space<hbm>> -> memref<80x128xi32, #tpu.memory_space<hbm>>
      tpu.enqueue_dma source(%dma_start3A_26 : memref<80x128xi32, #tpu.memory_space<hbm>>) target(%arg7 : memref<80x128xi32, #tpu.memory_space<vmem>>) target_semaphore(%run_scoped3A : memref<!tpu.dma_semaphore, #tpu.memory_space<semaphore_mem>>)
      %dma_wait3A = arith.constant 0 : i32
      %dma_wait3A_27 = arith.constant 0 : i32
      %dma_wait3A_28 = tpu.memref_slice %arg4[%add3A, %dma_wait3A, %dma_wait3A_27] : memref<32x80x128xi32, #tpu.memory_space<hbm>> -> memref<1x80x128xi32, #tpu.memory_space<hbm>>
      %dma_wait3A_29 = tpu.memref_squeeze %dma_wait3A_28 : memref<1x80x128xi32, #tpu.memory_space<hbm>> -> memref<80x128xi32, #tpu.memory_space<hbm>>
      %dma_wait3A_30 = arith.constant 0 : i32
      %dma_wait3A_31 = arith.constant 0 : i32
      %dma_wait3A_32 = tpu.memref_slice %arg4[%add3A, %dma_wait3A_30, %dma_wait3A_31] : memref<32x80x128xi32, #tpu.memory_space<hbm>> -> memref<1x80x128xi32, #tpu.memory_space<hbm>>
      %dma_wait3A_33 = tpu.memref_squeeze %dma_wait3A_32 : memref<1x80x128xi32, #tpu.memory_space<hbm>> -> memref<80x128xi32, #tpu.memory_space<hbm>>
      tpu.wait_dma2 semaphore(%run_scoped3A : memref<!tpu.dma_semaphore, #tpu.memory_space<semaphore_mem>>) src(%dma_wait3A_33 : memref<80x128xi32, #tpu.memory_space<hbm>>) dst(%arg7 : memref<80x128xi32, #tpu.memory_space<vmem>>)
      tpu.yield
    }) : () -> ()
    %barrier3A = arith.constant 0 : index
    tpu.barrier barrier_id(%barrier3A)
    %scan3A_9 = arith.constant 0 : i32
    %scan3A_10 = arith.constant 0 : i32
    %scan3A_11 = arith.constant 80 : i32
    %scan3A_12 = arith.addi %scan3A_10, %scan3A_11 : i32
    %scan3A_13 = arith.constant 1 : i32
    scf.for %scan3A_20 = %scan3A_10 to %scan3A_12 step %scan3A_13  : i32 {
      %dma_start3A = arith.constant 0 : i32
      %dma_start3A_21 = tpu.memref_slice %arg6[%scan3A_20, %dma_start3A] : memref<80x128xi32, #tpu.memory_space<vmem>> -> memref<1x128xi32, #tpu.memory_space<vmem>>
      %dma_start3A_22 = tpu.memref_squeeze %dma_start3A_21 : memref<1x128xi32, #tpu.memory_space<vmem>> -> memref<128xi32, #tpu.memory_space<vmem>>
      %dma_start3A_23 = arith.constant 0 : i32
      %dma_start3A_24 = arith.constant 0 : i32
      %dma_start3A_25 = tpu.memref_slice %arg2[%dma_start3A_23, %dma_start3A_24] : memref<10000x64xf32, #tpu.memory_space<hbm>> -> memref<10000x64xf32, #tpu.memory_space<hbm>>
      tpu.enqueue_indirect_dma source(%dma_start3A_25 : memref<10000x64xf32, #tpu.memory_space<hbm>>) target(%arg8 : memref<128x64xf32, #tpu.memory_space<vmem>>) offsets(%dma_start3A_22 : memref<128xi32, #tpu.memory_space<vmem>>) semaphore(%arg11 : memref<!tpu.dma_semaphore, #tpu.memory_space<semaphore_mem>>)
      %dma_wait3A = arith.constant 0 : i32
      %dma_wait3A_26 = tpu.memref_slice %arg6[%scan3A_20, %dma_wait3A] : memref<80x128xi32, #tpu.memory_space<vmem>> -> memref<1x128xi32, #tpu.memory_space<vmem>>
      %dma_wait3A_27 = tpu.memref_squeeze %dma_wait3A_26 : memref<1x128xi32, #tpu.memory_space<vmem>> -> memref<128xi32, #tpu.memory_space<vmem>>
      %dma_wait3A_28 = arith.constant 0 : i32
      %dma_wait3A_29 = arith.constant 0 : i32
      %dma_wait3A_30 = tpu.memref_slice %arg2[%dma_wait3A_28, %dma_wait3A_29] : memref<10000x64xf32, #tpu.memory_space<hbm>> -> memref<10000x64xf32, #tpu.memory_space<hbm>>
      tpu.wait_indirect_dma semaphore(%arg11 : memref<!tpu.dma_semaphore, #tpu.memory_space<semaphore_mem>>) src(%dma_wait3A_30 : memref<10000x64xf32, #tpu.memory_space<hbm>>) dst(%arg8 : memref<128x64xf32, #tpu.memory_space<vmem>>)
      "tpu.region"() ({
        %run_scoped3A = tpu.sem_alloc : memref<!tpu.dma_semaphore, #tpu.memory_space<semaphore_mem>>
        %dma_start3A_31 = arith.constant 0 : i32
        %dma_start3A_32 = tpu.memref_slice %arg7[%scan3A_20, %dma_start3A_31] : memref<80x128xi32, #tpu.memory_space<vmem>> -> memref<1x128xi32, #tpu.memory_space<vmem>>
        %dma_start3A_33 = tpu.memref_squeeze %dma_start3A_32 : memref<1x128xi32, #tpu.memory_space<vmem>> -> memref<128xi32, #tpu.memory_space<vmem>>
        %dma_start3A_34 = arith.constant 0 : i32
        %dma_start3A_35 = arith.constant 0 : i32
        %dma_start3A_36 = tpu.memref_slice %arg10[%dma_start3A_34, %dma_start3A_35] : memref<10112x64xf32, #tpu.memory_space<vmem_shared>> -> memref<10112x64xf32, #tpu.memory_space<vmem_shared>>
        tpu.enqueue_indirect_dma source(%arg8 : memref<128x64xf32, #tpu.memory_space<vmem>>) target(%dma_start3A_36 : memref<10112x64xf32, #tpu.memory_space<vmem_shared>>) offsets(%dma_start3A_33 : memref<128xi32, #tpu.memory_space<vmem>>) semaphore(%run_scoped3A : memref<!tpu.dma_semaphore, #tpu.memory_space<semaphore_mem>>) {add = true}
        %dma_wait3A_37 = arith.constant 0 : i32
        %dma_wait3A_38 = tpu.memref_slice %arg7[%scan3A_20, %dma_wait3A_37] : memref<80x128xi32, #tpu.memory_space<vmem>> -> memref<1x128xi32, #tpu.memory_space<vmem>>
        %dma_wait3A_39 = tpu.memref_squeeze %dma_wait3A_38 : memref<1x128xi32, #tpu.memory_space<vmem>> -> memref<128xi32, #tpu.memory_space<vmem>>
        %dma_wait3A_40 = arith.constant 0 : i32
        %dma_wait3A_41 = arith.constant 0 : i32
        %dma_wait3A_42 = tpu.memref_slice %arg10[%dma_wait3A_40, %dma_wait3A_41] : memref<10112x64xf32, #tpu.memory_space<vmem_shared>> -> memref<10112x64xf32, #tpu.memory_space<vmem_shared>>
        tpu.wait_indirect_dma semaphore(%run_scoped3A : memref<!tpu.dma_semaphore, #tpu.memory_space<semaphore_mem>>) src(%arg8 : memref<128x64xf32, #tpu.memory_space<vmem>>) dst(%dma_wait3A_42 : memref<10112x64xf32, #tpu.memory_space<vmem_shared>>)
        tpu.yield
      }) : () -> ()
    }
    %scan3A_14 = arith.constant 80 : i32
    %barrier3A_15 = arith.constant 0 : index
    tpu.barrier barrier_id(%barrier3A_15)
    %mul3A_16 = arith.constant 632 : i32
    %mul3A_17 = arith.muli %arg1, %mul3A_16 : i32
    "tpu.region"() ({
      %run_scoped3A = tpu.sem_alloc : memref<!tpu.dma_semaphore, #tpu.memory_space<semaphore_mem>>
      %dma_start3A = arith.constant 0 : i32
      %dma_start3A_20 = tpu.memref_slice %arg10[%mul3A_17, %dma_start3A] : memref<10112x64xf32, #tpu.memory_space<vmem_shared>> -> memref<632x64xf32, #tpu.memory_space<vmem_shared>>
      %dma_start3A_21 = arith.constant 0 : i32
      %dma_start3A_22 = tpu.memref_slice %arg10[%mul3A_17, %dma_start3A_21] : memref<10112x64xf32, #tpu.memory_space<vmem_shared>> -> memref<632x64xf32, #tpu.memory_space<vmem_shared>>
      tpu.enqueue_dma source(%dma_start3A_22 : memref<632x64xf32, #tpu.memory_space<vmem_shared>>) target(%arg9 : memref<632x64xf32, #tpu.memory_space<vmem>>) target_semaphore(%run_scoped3A : memref<!tpu.dma_semaphore, #tpu.memory_space<semaphore_mem>>)
      %dma_wait3A = arith.constant 0 : i32
      %dma_wait3A_23 = tpu.memref_slice %arg10[%mul3A_17, %dma_wait3A] : memref<10112x64xf32, #tpu.memory_space<vmem_shared>> -> memref<632x64xf32, #tpu.memory_space<vmem_shared>>
      %dma_wait3A_24 = arith.constant 0 : i32
      %dma_wait3A_25 = tpu.memref_slice %arg10[%mul3A_17, %dma_wait3A_24] : memref<10112x64xf32, #tpu.memory_space<vmem_shared>> -> memref<632x64xf32, #tpu.memory_space<vmem_shared>>
      tpu.wait_dma2 semaphore(%run_scoped3A : memref<!tpu.dma_semaphore, #tpu.memory_space<semaphore_mem>>) src(%dma_wait3A_25 : memref<632x64xf32, #tpu.memory_space<vmem_shared>>) dst(%arg9 : memref<632x64xf32, #tpu.memory_space<vmem>>)
      tpu.yield
    }) : () -> ()
    %mul3A_18 = arith.constant 632 : i32
    %mul3A_19 = arith.muli %arg1, %mul3A_18 : i32
    "tpu.region"() ({
      %run_scoped3A = tpu.sem_alloc : memref<!tpu.dma_semaphore, #tpu.memory_space<semaphore_mem>>
      %dma_start3A = arith.constant 0 : i32
      %dma_start3A_20 = tpu.memref_slice %arg5[%arg0, %mul3A_19, %dma_start3A] : memref<2x10112x64xf32, #tpu.memory_space<hbm>> -> memref<1x632x64xf32, #tpu.memory_space<hbm>>
      %dma_start3A_21 = tpu.memref_squeeze %dma_start3A_20 : memref<1x632x64xf32, #tpu.memory_space<hbm>> -> memref<632x64xf32, #tpu.memory_space<hbm>>
      %dma_start3A_22 = arith.constant 0 : i32
      %dma_start3A_23 = tpu.memref_slice %arg5[%arg0, %mul3A_19, %dma_start3A_22] : memref<2x10112x64xf32, #tpu.memory_space<hbm>> -> memref<1x632x64xf32, #tpu.memory_space<hbm>>
      %dma_start3A_24 = tpu.memref_squeeze %dma_start3A_23 : memref<1x632x64xf32, #tpu.memory_space<hbm>> -> memref<632x64xf32, #tpu.memory_space<hbm>>
      tpu.enqueue_dma source(%arg9 : memref<632x64xf32, #tpu.memory_space<vmem>>) target(%dma_start3A_24 : memref<632x64xf32, #tpu.memory_space<hbm>>) target_semaphore(%run_scoped3A : memref<!tpu.dma_semaphore, #tpu.memory_space<semaphore_mem>>)
      %dma_wait3A = arith.constant 0 : i32
      %dma_wait3A_25 = tpu.memref_slice %arg5[%arg0, %mul3A_19, %dma_wait3A] : memref<2x10112x64xf32, #tpu.memory_space<hbm>> -> memref<1x632x64xf32, #tpu.memory_space<hbm>>
      %dma_wait3A_26 = tpu.memref_squeeze %dma_wait3A_25 : memref<1x632x64xf32, #tpu.memory_space<hbm>> -> memref<632x64xf32, #tpu.memory_space<hbm>>
      %dma_wait3A_27 = arith.constant 0 : i32
      %dma_wait3A_28 = tpu.memref_slice %arg5[%arg0, %mul3A_19, %dma_wait3A_27] : memref<2x10112x64xf32, #tpu.memory_space<hbm>> -> memref<1x632x64xf32, #tpu.memory_space<hbm>>
      %dma_wait3A_29 = tpu.memref_squeeze %dma_wait3A_28 : memref<1x632x64xf32, #tpu.memory_space<hbm>> -> memref<632x64xf32, #tpu.memory_space<hbm>>
      tpu.wait_dma2 semaphore(%run_scoped3A : memref<!tpu.dma_semaphore, #tpu.memory_space<semaphore_mem>>) src(%arg9 : memref<632x64xf32, #tpu.memory_space<vmem>>) dst(%dma_wait3A_29 : memref<632x64xf32, #tpu.memory_space<hbm>>)
      tpu.yield
    }) : () -> ()
    return
  }
}

#map = affine_map<(d0, d1) -> (0, 0)>
#map1 = affine_map<(d0, d1) -> (0, 0, 0)>
module attributes {stable_mosaic.version = 14 : i64} {
  func.func @_sc_agg(%arg0: i32, %arg1: i32, %arg2: memref<10000x64xf32, #tpu.memory_space<hbm>>, %arg3: memref<32x80x128xi32, #tpu.memory_space<hbm>>, %arg4: memref<32x80x128xi32, #tpu.memory_space<hbm>>, %arg5: memref<2x10112x64xf32, #tpu.memory_space<hbm>>, %arg6: memref<80x128xi32, #tpu.memory_space<vmem>>, %arg7: memref<80x128xi32, #tpu.memory_space<vmem>>, %arg8: memref<128x64xf32, #tpu.memory_space<vmem>>, %arg9: memref<632x64xf32, #tpu.memory_space<vmem>>, %arg10: memref<10112x64xf32, #tpu.memory_space<vmem_shared>>, %arg11: memref<!tpu.dma_semaphore, #tpu.memory_space<semaphore_mem>>) attributes {dimension_semantics = [#tpu.dimension_semantics<core_parallel>, #tpu.dimension_semantics<subcore_parallel>], iteration_bounds = array<i64: 2, 16>, scalar_prefetch = 0 : i64, scratch_operands = 6 : i64, tpu.core_type = #tpu.core_type<sc_vector_subcore>, window_params = [{transform_indices = #map}, {transform_indices = #map1}, {transform_indices = #map1}, {transform_indices = #map1}]} {
    %mul3A = arith.constant 2 : i32
    %mul3A_0 = arith.muli %arg1, %mul3A : i32
    %add3A = arith.addi %mul3A_0, %arg0 : i32
    %broadcast_in_dim3A = arith.constant 0.000000e+00 : f32
    %broadcast_in_dim3A_1 = vector.broadcast %broadcast_in_dim3A : f32 to vector<16xf32>
    %scan3A = arith.constant 0 : i32
    %scan3A_2 = arith.constant 0 : i32
    %scan3A_3 = arith.constant 632 : i32
    %scan3A_4 = arith.addi %scan3A_2, %scan3A_3 : i32
    %scan3A_5 = arith.constant 1 : i32
    scf.for %scan3A_20 = %scan3A_2 to %scan3A_4 step %scan3A_5  : i32 {
      %swap3A = arith.index_cast %scan3A_20 : i32 to index
      %swap3A_21 = arith.constant 0 : index
      %swap3A_22 = tpu.vector_load %arg9[%swap3A, %swap3A_21] {strides = array<i32>} : memref<632x64xf32, #tpu.memory_space<vmem>>, vector<1x16xf32>,
      %swap3A_23 = vector.shape_cast %swap3A_22 : vector<1x16xf32> to vector<16xf32>
      %swap3A_24 = vector.shape_cast %broadcast_in_dim3A_1 : vector<16xf32> to vector<1x16xf32>
      tpu.vector_store %arg9[%swap3A, %swap3A_21], %swap3A_24 {strides = array<i32>} : memref<632x64xf32, #tpu.memory_space<vmem>>, vector<1x16xf32>,
      %swap3A_25 = arith.index_cast %scan3A_20 : i32 to index
      %swap3A_26 = arith.constant 16 : index
      %swap3A_27 = tpu.vector_load %arg9[%swap3A_25, %swap3A_26] {strides = array<i32>} : memref<632x64xf32, #tpu.memory_space<vmem>>, vector<1x16xf32>,
      %swap3A_28 = vector.shape_cast %swap3A_27 : vector<1x16xf32> to vector<16xf32>
      %swap3A_29 = vector.shape_cast %broadcast_in_dim3A_1 : vector<16xf32> to vector<1x16xf32>
      tpu.vector_store %arg9[%swap3A_25, %swap3A_26], %swap3A_29 {strides = array<i32>} : memref<632x64xf32, #tpu.memory_space<vmem>>, vector<1x16xf32>,
      %swap3A_30 = arith.index_cast %scan3A_20 : i32 to index
      %swap3A_31 = arith.constant 32 : index
      %swap3A_32 = tpu.vector_load %arg9[%swap3A_30, %swap3A_31] {strides = array<i32>} : memref<632x64xf32, #tpu.memory_space<vmem>>, vector<1x16xf32>,
      %swap3A_33 = vector.shape_cast %swap3A_32 : vector<1x16xf32> to vector<16xf32>
      %swap3A_34 = vector.shape_cast %broadcast_in_dim3A_1 : vector<16xf32> to vector<1x16xf32>
      tpu.vector_store %arg9[%swap3A_30, %swap3A_31], %swap3A_34 {strides = array<i32>} : memref<632x64xf32, #tpu.memory_space<vmem>>, vector<1x16xf32>,
      %swap3A_35 = arith.index_cast %scan3A_20 : i32 to index
      %swap3A_36 = arith.constant 48 : index
      %swap3A_37 = tpu.vector_load %arg9[%swap3A_35, %swap3A_36] {strides = array<i32>} : memref<632x64xf32, #tpu.memory_space<vmem>>, vector<1x16xf32>,
      %swap3A_38 = vector.shape_cast %swap3A_37 : vector<1x16xf32> to vector<16xf32>
      %swap3A_39 = vector.shape_cast %broadcast_in_dim3A_1 : vector<16xf32> to vector<1x16xf32>
      tpu.vector_store %arg9[%swap3A_35, %swap3A_36], %swap3A_39 {strides = array<i32>} : memref<632x64xf32, #tpu.memory_space<vmem>>, vector<1x16xf32>,
    }
    %scan3A_6 = arith.constant 632 : i32
    %mul3A_7 = arith.constant 632 : i32
    %mul3A_8 = arith.muli %arg1, %mul3A_7 : i32
    "tpu.region"() ({
      %run_scoped3A = tpu.sem_alloc : memref<!tpu.dma_semaphore, #tpu.memory_space<semaphore_mem>>
      %dma_start3A = arith.constant 0 : i32
      %dma_start3A_20 = tpu.memref_slice %arg10[%mul3A_8, %dma_start3A] : memref<10112x64xf32, #tpu.memory_space<vmem_shared>> -> memref<632x64xf32, #tpu.memory_space<vmem_shared>>
      %dma_start3A_21 = arith.constant 0 : i32
      %dma_start3A_22 = tpu.memref_slice %arg10[%mul3A_8, %dma_start3A_21] : memref<10112x64xf32, #tpu.memory_space<vmem_shared>> -> memref<632x64xf32, #tpu.memory_space<vmem_shared>>
      tpu.enqueue_dma source(%arg9 : memref<632x64xf32, #tpu.memory_space<vmem>>) target(%dma_start3A_22 : memref<632x64xf32, #tpu.memory_space<vmem_shared>>) target_semaphore(%run_scoped3A : memref<!tpu.dma_semaphore, #tpu.memory_space<semaphore_mem>>)
      %dma_wait3A = arith.constant 0 : i32
      %dma_wait3A_23 = tpu.memref_slice %arg10[%mul3A_8, %dma_wait3A] : memref<10112x64xf32, #tpu.memory_space<vmem_shared>> -> memref<632x64xf32, #tpu.memory_space<vmem_shared>>
      %dma_wait3A_24 = arith.constant 0 : i32
      %dma_wait3A_25 = tpu.memref_slice %arg10[%mul3A_8, %dma_wait3A_24] : memref<10112x64xf32, #tpu.memory_space<vmem_shared>> -> memref<632x64xf32, #tpu.memory_space<vmem_shared>>
      tpu.wait_dma2 semaphore(%run_scoped3A : memref<!tpu.dma_semaphore, #tpu.memory_space<semaphore_mem>>) src(%arg9 : memref<632x64xf32, #tpu.memory_space<vmem>>) dst(%dma_wait3A_25 : memref<632x64xf32, #tpu.memory_space<vmem_shared>>)
      tpu.yield
    }) : () -> ()
    "tpu.region"() ({
      %run_scoped3A = tpu.sem_alloc : memref<!tpu.dma_semaphore, #tpu.memory_space<semaphore_mem>>
      %dma_start3A = arith.constant 0 : i32
      %dma_start3A_20 = arith.constant 0 : i32
      %dma_start3A_21 = tpu.memref_slice %arg3[%add3A, %dma_start3A, %dma_start3A_20] : memref<32x80x128xi32, #tpu.memory_space<hbm>> -> memref<1x80x128xi32, #tpu.memory_space<hbm>>
      %dma_start3A_22 = tpu.memref_squeeze %dma_start3A_21 : memref<1x80x128xi32, #tpu.memory_space<hbm>> -> memref<80x128xi32, #tpu.memory_space<hbm>>
      %dma_start3A_23 = arith.constant 0 : i32
      %dma_start3A_24 = arith.constant 0 : i32
      %dma_start3A_25 = tpu.memref_slice %arg3[%add3A, %dma_start3A_23, %dma_start3A_24] : memref<32x80x128xi32, #tpu.memory_space<hbm>> -> memref<1x80x128xi32, #tpu.memory_space<hbm>>
      %dma_start3A_26 = tpu.memref_squeeze %dma_start3A_25 : memref<1x80x128xi32, #tpu.memory_space<hbm>> -> memref<80x128xi32, #tpu.memory_space<hbm>>
      tpu.enqueue_dma source(%dma_start3A_26 : memref<80x128xi32, #tpu.memory_space<hbm>>) target(%arg6 : memref<80x128xi32, #tpu.memory_space<vmem>>) target_semaphore(%run_scoped3A : memref<!tpu.dma_semaphore, #tpu.memory_space<semaphore_mem>>)
      %dma_wait3A = arith.constant 0 : i32
      %dma_wait3A_27 = arith.constant 0 : i32
      %dma_wait3A_28 = tpu.memref_slice %arg3[%add3A, %dma_wait3A, %dma_wait3A_27] : memref<32x80x128xi32, #tpu.memory_space<hbm>> -> memref<1x80x128xi32, #tpu.memory_space<hbm>>
      %dma_wait3A_29 = tpu.memref_squeeze %dma_wait3A_28 : memref<1x80x128xi32, #tpu.memory_space<hbm>> -> memref<80x128xi32, #tpu.memory_space<hbm>>
      %dma_wait3A_30 = arith.constant 0 : i32
      %dma_wait3A_31 = arith.constant 0 : i32
      %dma_wait3A_32 = tpu.memref_slice %arg3[%add3A, %dma_wait3A_30, %dma_wait3A_31] : memref<32x80x128xi32, #tpu.memory_space<hbm>> -> memref<1x80x128xi32, #tpu.memory_space<hbm>>
      %dma_wait3A_33 = tpu.memref_squeeze %dma_wait3A_32 : memref<1x80x128xi32, #tpu.memory_space<hbm>> -> memref<80x128xi32, #tpu.memory_space<hbm>>
      tpu.wait_dma2 semaphore(%run_scoped3A : memref<!tpu.dma_semaphore, #tpu.memory_space<semaphore_mem>>) src(%dma_wait3A_33 : memref<80x128xi32, #tpu.memory_space<hbm>>) dst(%arg6 : memref<80x128xi32, #tpu.memory_space<vmem>>)
      tpu.yield
    }) : () -> ()
    "tpu.region"() ({
      %run_scoped3A = tpu.sem_alloc : memref<!tpu.dma_semaphore, #tpu.memory_space<semaphore_mem>>
      %dma_start3A = arith.constant 0 : i32
      %dma_start3A_20 = arith.constant 0 : i32
      %dma_start3A_21 = tpu.memref_slice %arg4[%add3A, %dma_start3A, %dma_start3A_20] : memref<32x80x128xi32, #tpu.memory_space<hbm>> -> memref<1x80x128xi32, #tpu.memory_space<hbm>>
      %dma_start3A_22 = tpu.memref_squeeze %dma_start3A_21 : memref<1x80x128xi32, #tpu.memory_space<hbm>> -> memref<80x128xi32, #tpu.memory_space<hbm>>
      %dma_start3A_23 = arith.constant 0 : i32
      %dma_start3A_24 = arith.constant 0 : i32
      %dma_start3A_25 = tpu.memref_slice %arg4[%add3A, %dma_start3A_23, %dma_start3A_24] : memref<32x80x128xi32, #tpu.memory_space<hbm>> -> memref<1x80x128xi32, #tpu.memory_space<hbm>>
      %dma_start3A_26 = tpu.memref_squeeze %dma_start3A_25 : memref<1x80x128xi32, #tpu.memory_space<hbm>> -> memref<80x128xi32, #tpu.memory_space<hbm>>
      tpu.enqueue_dma source(%dma_start3A_26 : memref<80x128xi32, #tpu.memory_space<hbm>>) target(%arg7 : memref<80x128xi32, #tpu.memory_space<vmem>>) target_semaphore(%run_scoped3A : memref<!tpu.dma_semaphore, #tpu.memory_space<semaphore_mem>>)
      %dma_wait3A = arith.constant 0 : i32
      %dma_wait3A_27 = arith.constant 0 : i32
      %dma_wait3A_28 = tpu.memref_slice %arg4[%add3A, %dma_wait3A, %dma_wait3A_27] : memref<32x80x128xi32, #tpu.memory_space<hbm>> -> memref<1x80x128xi32, #tpu.memory_space<hbm>>
      %dma_wait3A_29 = tpu.memref_squeeze %dma_wait3A_28 : memref<1x80x128xi32, #tpu.memory_space<hbm>> -> memref<80x128xi32, #tpu.memory_space<hbm>>
      %dma_wait3A_30 = arith.constant 0 : i32
      %dma_wait3A_31 = arith.constant 0 : i32
      %dma_wait3A_32 = tpu.memref_slice %arg4[%add3A, %dma_wait3A_30, %dma_wait3A_31] : memref<32x80x128xi32, #tpu.memory_space<hbm>> -> memref<1x80x128xi32, #tpu.memory_space<hbm>>
      %dma_wait3A_33 = tpu.memref_squeeze %dma_wait3A_32 : memref<1x80x128xi32, #tpu.memory_space<hbm>> -> memref<80x128xi32, #tpu.memory_space<hbm>>
      tpu.wait_dma2 semaphore(%run_scoped3A : memref<!tpu.dma_semaphore, #tpu.memory_space<semaphore_mem>>) src(%dma_wait3A_33 : memref<80x128xi32, #tpu.memory_space<hbm>>) dst(%arg7 : memref<80x128xi32, #tpu.memory_space<vmem>>)
      tpu.yield
    }) : () -> ()
    %barrier3A = arith.constant 0 : index
    tpu.barrier barrier_id(%barrier3A)
    %scan3A_9 = arith.constant 0 : i32
    %scan3A_10 = arith.constant 0 : i32
    %scan3A_11 = arith.constant 80 : i32
    %scan3A_12 = arith.addi %scan3A_10, %scan3A_11 : i32
    %scan3A_13 = arith.constant 1 : i32
    scf.for %scan3A_20 = %scan3A_10 to %scan3A_12 step %scan3A_13  : i32 {
      %dma_start3A = arith.constant 0 : i32
      %dma_start3A_21 = tpu.memref_slice %arg6[%scan3A_20, %dma_start3A] : memref<80x128xi32, #tpu.memory_space<vmem>> -> memref<1x128xi32, #tpu.memory_space<vmem>>
      %dma_start3A_22 = tpu.memref_squeeze %dma_start3A_21 : memref<1x128xi32, #tpu.memory_space<vmem>> -> memref<128xi32, #tpu.memory_space<vmem>>
      %dma_start3A_23 = arith.constant 0 : i32
      %dma_start3A_24 = arith.constant 0 : i32
      %dma_start3A_25 = tpu.memref_slice %arg2[%dma_start3A_23, %dma_start3A_24] : memref<10000x64xf32, #tpu.memory_space<hbm>> -> memref<10000x64xf32, #tpu.memory_space<hbm>>
      tpu.enqueue_indirect_dma source(%dma_start3A_25 : memref<10000x64xf32, #tpu.memory_space<hbm>>) target(%arg8 : memref<128x64xf32, #tpu.memory_space<vmem>>) offsets(%dma_start3A_22 : memref<128xi32, #tpu.memory_space<vmem>>) semaphore(%arg11 : memref<!tpu.dma_semaphore, #tpu.memory_space<semaphore_mem>>)
      %dma_wait3A = arith.constant 0 : i32
      %dma_wait3A_26 = tpu.memref_slice %arg6[%scan3A_20, %dma_wait3A] : memref<80x128xi32, #tpu.memory_space<vmem>> -> memref<1x128xi32, #tpu.memory_space<vmem>>
      %dma_wait3A_27 = tpu.memref_squeeze %dma_wait3A_26 : memref<1x128xi32, #tpu.memory_space<vmem>> -> memref<128xi32, #tpu.memory_space<vmem>>
      %dma_wait3A_28 = arith.constant 0 : i32
      %dma_wait3A_29 = arith.constant 0 : i32
      %dma_wait3A_30 = tpu.memref_slice %arg2[%dma_wait3A_28, %dma_wait3A_29] : memref<10000x64xf32, #tpu.memory_space<hbm>> -> memref<10000x64xf32, #tpu.memory_space<hbm>>
      tpu.wait_indirect_dma semaphore(%arg11 : memref<!tpu.dma_semaphore, #tpu.memory_space<semaphore_mem>>) src(%dma_wait3A_30 : memref<10000x64xf32, #tpu.memory_space<hbm>>) dst(%arg8 : memref<128x64xf32, #tpu.memory_space<vmem>>)
      "tpu.region"() ({
        %run_scoped3A = tpu.sem_alloc : memref<!tpu.dma_semaphore, #tpu.memory_space<semaphore_mem>>
        %dma_start3A_31 = arith.constant 0 : i32
        %dma_start3A_32 = tpu.memref_slice %arg7[%scan3A_20, %dma_start3A_31] : memref<80x128xi32, #tpu.memory_space<vmem>> -> memref<1x128xi32, #tpu.memory_space<vmem>>
        %dma_start3A_33 = tpu.memref_squeeze %dma_start3A_32 : memref<1x128xi32, #tpu.memory_space<vmem>> -> memref<128xi32, #tpu.memory_space<vmem>>
        %dma_start3A_34 = arith.constant 0 : i32
        %dma_start3A_35 = arith.constant 0 : i32
        %dma_start3A_36 = tpu.memref_slice %arg10[%dma_start3A_34, %dma_start3A_35] : memref<10112x64xf32, #tpu.memory_space<vmem_shared>> -> memref<10112x64xf32, #tpu.memory_space<vmem_shared>>
        tpu.enqueue_indirect_dma source(%arg8 : memref<128x64xf32, #tpu.memory_space<vmem>>) target(%dma_start3A_36 : memref<10112x64xf32, #tpu.memory_space<vmem_shared>>) offsets(%dma_start3A_33 : memref<128xi32, #tpu.memory_space<vmem>>) semaphore(%run_scoped3A : memref<!tpu.dma_semaphore, #tpu.memory_space<semaphore_mem>>) {add = true}
        %dma_wait3A_37 = arith.constant 0 : i32
        %dma_wait3A_38 = tpu.memref_slice %arg7[%scan3A_20, %dma_wait3A_37] : memref<80x128xi32, #tpu.memory_space<vmem>> -> memref<1x128xi32, #tpu.memory_space<vmem>>
        %dma_wait3A_39 = tpu.memref_squeeze %dma_wait3A_38 : memref<1x128xi32, #tpu.memory_space<vmem>> -> memref<128xi32, #tpu.memory_space<vmem>>
        %dma_wait3A_40 = arith.constant 0 : i32
        %dma_wait3A_41 = arith.constant 0 : i32
        %dma_wait3A_42 = tpu.memref_slice %arg10[%dma_wait3A_40, %dma_wait3A_41] : memref<10112x64xf32, #tpu.memory_space<vmem_shared>> -> memref<10112x64xf32, #tpu.memory_space<vmem_shared>>
        tpu.wait_indirect_dma semaphore(%run_scoped3A : memref<!tpu.dma_semaphore, #tpu.memory_space<semaphore_mem>>) src(%arg8 : memref<128x64xf32, #tpu.memory_space<vmem>>) dst(%dma_wait3A_42 : memref<10112x64xf32, #tpu.memory_space<vmem_shared>>)
        tpu.yield
      }) : () -> ()
    }
    %scan3A_14 = arith.constant 80 : i32
    %barrier3A_15 = arith.constant 0 : index
    tpu.barrier barrier_id(%barrier3A_15)
    %mul3A_16 = arith.constant 632 : i32
    %mul3A_17 = arith.muli %arg1, %mul3A_16 : i32
    "tpu.region"() ({
      %run_scoped3A = tpu.sem_alloc : memref<!tpu.dma_semaphore, #tpu.memory_space<semaphore_mem>>
      %dma_start3A = arith.constant 0 : i32
      %dma_start3A_20 = tpu.memref_slice %arg10[%mul3A_17, %dma_start3A] : memref<10112x64xf32, #tpu.memory_space<vmem_shared>> -> memref<632x64xf32, #tpu.memory_space<vmem_shared>>
      %dma_start3A_21 = arith.constant 0 : i32
      %dma_start3A_22 = tpu.memref_slice %arg10[%mul3A_17, %dma_start3A_21] : memref<10112x64xf32, #tpu.memory_space<vmem_shared>> -> memref<632x64xf32, #tpu.memory_space<vmem_shared>>
      tpu.enqueue_dma source(%dma_start3A_22 : memref<632x64xf32, #tpu.memory_space<vmem_shared>>) target(%arg9 : memref<632x64xf32, #tpu.memory_space<vmem>>) target_semaphore(%run_scoped3A : memref<!tpu.dma_semaphore, #tpu.memory_space<semaphore_mem>>)
      %dma_wait3A = arith.constant 0 : i32
      %dma_wait3A_23 = tpu.memref_slice %arg10[%mul3A_17, %dma_wait3A] : memref<10112x64xf32, #tpu.memory_space<vmem_shared>> -> memref<632x64xf32, #tpu.memory_space<vmem_shared>>
      %dma_wait3A_24 = arith.constant 0 : i32
      %dma_wait3A_25 = tpu.memref_slice %arg10[%mul3A_17, %dma_wait3A_24] : memref<10112x64xf32, #tpu.memory_space<vmem_shared>> -> memref<632x64xf32, #tpu.memory_space<vmem_shared>>
      tpu.wait_dma2 semaphore(%run_scoped3A : memref<!tpu.dma_semaphore, #tpu.memory_space<semaphore_mem>>) src(%dma_wait3A_25 : memref<632x64xf32, #tpu.memory_space<vmem_shared>>) dst(%arg9 : memref<632x64xf32, #tpu.memory_space<vmem>>)
      tpu.yield
    }) : () -> ()
    %mul3A_18 = arith.constant 632 : i32
    %mul3A_19 = arith.muli %arg1, %mul3A_18 : i32
    "tpu.region"() ({
      %run_scoped3A = tpu.sem_alloc : memref<!tpu.dma_semaphore, #tpu.memory_space<semaphore_mem>>
      %dma_start3A = arith.constant 0 : i32
      %dma_start3A_20 = tpu.memref_slice %arg5[%arg0, %mul3A_19, %dma_start3A] : memref<2x10112x64xf32, #tpu.memory_space<hbm>> -> memref<1x632x64xf32, #tpu.memory_space<hbm>>
      %dma_start3A_21 = tpu.memref_squeeze %dma_start3A_20 : memref<1x632x64xf32, #tpu.memory_space<hbm>> -> memref<632x64xf32, #tpu.memory_space<hbm>>
      %dma_start3A_22 = arith.constant 0 : i32
      %dma_start3A_23 = tpu.memref_slice %arg5[%arg0, %mul3A_19, %dma_start3A_22] : memref<2x10112x64xf32, #tpu.memory_space<hbm>> -> memref<1x632x64xf32, #tpu.memory_space<hbm>>
      %dma_start3A_24 = tpu.memref_squeeze %dma_start3A_23 : memref<1x632x64xf32, #tpu.memory_space<hbm>> -> memref<632x64xf32, #tpu.memory_space<hbm>>
      tpu.enqueue_dma source(%arg9 : memref<632x64xf32, #tpu.memory_space<vmem>>) target(%dma_start3A_24 : memref<632x64xf32, #tpu.memory_space<hbm>>) target_semaphore(%run_scoped3A : memref<!tpu.dma_semaphore, #tpu.memory_space<semaphore_mem>>)
      %dma_wait3A = arith.constant 0 : i32
      %dma_wait3A_25 = tpu.memref_slice %arg5[%arg0, %mul3A_19, %dma_wait3A] : memref<2x10112x64xf32, #tpu.memory_space<hbm>> -> memref<1x632x64xf32, #tpu.memory_space<hbm>>
      %dma_wait3A_26 = tpu.memref_squeeze %dma_wait3A_25 : memref<1x632x64xf32, #tpu.memory_space<hbm>> -> memref<632x64xf32, #tpu.memory_space<hbm>>
      %dma_wait3A_27 = arith.constant 0 : i32
      %dma_wait3A_28 = tpu.memref_slice %arg5[%arg0, %mul3A_19, %dma_wait3A_27] : memref<2x10112x64xf32, #tpu.memory_space<hbm>> -> memref<1x632x64xf32, #tpu.memory_space<hbm>>
      %dma_wait3A_29 = tpu.memref_squeeze %dma_wait3A_28 : memref<1x632x64xf32, #tpu.memory_space<hbm>> -> memref<632x64xf32, #tpu.memory_space<hbm>>
      tpu.wait_dma2 semaphore(%run_scoped3A : memref<!tpu.dma_semaphore, #tpu.memory_space<semaphore_mem>>) src(%arg9 : memref<632x64xf32, #tpu.memory_space<vmem>>) dst(%dma_wait3A_29 : memref<632x64xf32, #tpu.memory_space<hbm>>)
      tpu.yield
    }) : () -> ()
    return
  }
}

module attributes {stable_mosaic.version = 14 : i64} {
  func.func @_proj_body(%arg0: i32, %arg1: memref<2000x128xf32, #tpu.memory_space<vmem>>, %arg2: memref<128x64xf32, #tpu.memory_space<vmem>>, %arg3: memref<2000x64xf32, #tpu.memory_space<vmem>>) attributes {dimension_semantics = [#tpu.dimension_semantics<arbitrary>], iteration_bounds = array<i64: 5>, scalar_prefetch = 0 : i64, scratch_operands = 0 : i64, tpu.core_type = #tpu.core_type<tc>, window_params = [{transform_indices = @transform_0, window_bounds = array<i64: 2000, 128>}, {pipeline_mode = #tpu.pipeline_mode<synchronous>, transform_indices = @transform_1, window_bounds = array<i64: 128, 64>}, {transform_indices = @transform_2, window_bounds = array<i64: 2000, 64>}]} {
    %get3A = arith.constant 0 : index
    %get3A_0 = arith.constant 0 : index
    %get3A_1 = vector.load %arg1[%get3A, %get3A_0] : memref<2000x128xf32, #tpu.memory_space<vmem>>, vector<2000x128xf32>
    %get3A_2 = arith.constant 0 : index
    %get3A_3 = arith.constant 0 : index
    %get3A_4 = vector.load %arg2[%get3A_2, %get3A_3] : memref<128x64xf32, #tpu.memory_space<vmem>>, vector<128x64xf32>
    %dot_general3A = arith.constant dense<0.000000e+00> : vector<2000x64xf32>
    %dot_general3A_5 = tpu.matmul %get3A_1, %get3A_4, %dot_general3A {dimension_numbers = #tpu.dot_dimension_numbers<[1], [0], [0], [1], [0, 0, 1, 1], [], []>, transpose_lhs_hint = false} : vector<2000x128xf32>, vector<128x64xf32>, vector<2000x64xf32> -> vector<2000x64xf32>
    %swap3A = arith.constant 0 : index
    %swap3A_6 = arith.constant 0 : index
    %swap3A_7 = vector.load %arg3[%swap3A, %swap3A_6] : memref<2000x64xf32, #tpu.memory_space<vmem>>, vector<2000x64xf32>
    tpu.vector_store %arg3[%swap3A, %swap3A_6], %dot_general3A_5 {strides = array<i32>} : memref<2000x64xf32, #tpu.memory_space<vmem>>, vector<2000x64xf32>,
    return
  }
  func.func @transform_0(%arg0: i32) -> (i32, i32) {
    %c0_i32 = arith.constant 0 : i32
    %c0_i32_0 = arith.constant 0 : i32
    return %arg0, %c0_i32 : i32, i32
  }
  func.func @transform_1(%arg0: i32) -> (i32, i32) {
    %c0_i32 = arith.constant 0 : i32
    %c0_i32_0 = arith.constant 0 : i32
    %c0_i32_1 = arith.constant 0 : i32
    return %c0_i32, %c0_i32_0 : i32, i32
  }
  func.func @transform_2(%arg0: i32) -> (i32, i32) {
    %c0_i32 = arith.constant 0 : i32
    %c0_i32_0 = arith.constant 0 : i32
    return %arg0, %c0_i32 : i32, i32
  }
}

module attributes {stable_mosaic.version = 14 : i64} {
  func.func @_combine_body(%arg0: i32, %arg1: memref<2000x64xf32, #tpu.memory_space<vmem>>, %arg2: memref<2000x64xf32, #tpu.memory_space<vmem>>, %arg3: memref<2000x64xf32, #tpu.memory_space<vmem>>, %arg4: memref<1x64xf32, #tpu.memory_space<vmem>>, %arg5: memref<1x64xf32, #tpu.memory_space<vmem>>, %arg6: memref<64x64xf32, #tpu.memory_space<vmem>>, %arg7: memref<1x64xf32, #tpu.memory_space<vmem>>, %arg8: memref<64x64xf32, #tpu.memory_space<vmem>>, %arg9: memref<2000x64xf32, #tpu.memory_space<vmem>>) attributes {dimension_semantics = [#tpu.dimension_semantics<arbitrary>], iteration_bounds = array<i64: 5>, scalar_prefetch = 0 : i64, scratch_operands = 0 : i64, tpu.core_type = #tpu.core_type<tc>, window_params = [{transform_indices = @transform_0, window_bounds = array<i64: 2000, 64>}, {transform_indices = @transform_1, window_bounds = array<i64: 2000, 64>}, {transform_indices = @transform_2, window_bounds = array<i64: 2000, 64>}, {pipeline_mode = #tpu.pipeline_mode<synchronous>, transform_indices = @transform_3, window_bounds = array<i64: 1, 64>}, {pipeline_mode = #tpu.pipeline_mode<synchronous>, transform_indices = @transform_4, window_bounds = array<i64: 1, 64>}, {pipeline_mode = #tpu.pipeline_mode<synchronous>, transform_indices = @transform_5, window_bounds = array<i64: 64, 64>}, {pipeline_mode = #tpu.pipeline_mode<synchronous>, transform_indices = @transform_6, window_bounds = array<i64: 1, 64>}, {pipeline_mode = #tpu.pipeline_mode<synchronous>, transform_indices = @transform_7, window_bounds = array<i64: 64, 64>}, {transform_indices = @transform_8, window_bounds = array<i64: 2000, 64>}]} {
    %get3A = arith.constant 0 : index
    %get3A_0 = arith.constant 0 : index
    %get3A_1 = vector.load %arg1[%get3A, %get3A_0] : memref<2000x64xf32, #tpu.memory_space<vmem>>, vector<2000x64xf32>
    %get3A_2 = arith.constant 0 : index
    %get3A_3 = arith.constant 0 : index
    %get3A_4 = vector.load %arg4[%get3A_2, %get3A_3] : memref<1x64xf32, #tpu.memory_space<vmem>>, vector<1x64xf32>
    %mul3A = vector.broadcast %get3A_4 : vector<1x64xf32> to vector<2000x64xf32>
    %mul3A_5 = arith.mulf %get3A_1, %mul3A : vector<2000x64xf32>
    %get3A_6 = arith.constant 0 : index
    %get3A_7 = arith.constant 0 : index
    %get3A_8 = vector.load %arg2[%get3A_6, %get3A_7] : memref<2000x64xf32, #tpu.memory_space<vmem>>, vector<2000x64xf32>
    %add3A = arith.addf %mul3A_5, %get3A_8 : vector<2000x64xf32>
    %get3A_9 = arith.constant 0 : index
    %get3A_10 = arith.constant 0 : index
    %get3A_11 = vector.load %arg3[%get3A_9, %get3A_10] : memref<2000x64xf32, #tpu.memory_space<vmem>>, vector<2000x64xf32>
    %add3A_12 = arith.addf %add3A, %get3A_11 : vector<2000x64xf32>
    %get3A_13 = arith.constant 0 : index
    %get3A_14 = arith.constant 0 : index
    %get3A_15 = vector.load %arg5[%get3A_13, %get3A_14] : memref<1x64xf32, #tpu.memory_space<vmem>>, vector<1x64xf32>
    %add3A_16 = vector.broadcast %get3A_15 : vector<1x64xf32> to vector<2000x64xf32>
    %add3A_17 = arith.addf %add3A_12, %add3A_16 : vector<2000x64xf32>
    %max3A = arith.constant 0.000000e+00 : f32
    %max3A_18 = vector.broadcast %max3A : f32 to vector<2000x64xf32>
    %max3A_19 = arith.maximumf %add3A_17, %max3A_18 : vector<2000x64xf32>
    %get3A_20 = arith.constant 0 : index
    %get3A_21 = arith.constant 0 : index
    %get3A_22 = vector.load %arg6[%get3A_20, %get3A_21] : memref<64x64xf32, #tpu.memory_space<vmem>>, vector<64x64xf32>
    %dot_general3A = arith.constant dense<0.000000e+00> : vector<2000x64xf32>
    %dot_general3A_23 = tpu.matmul %max3A_19, %get3A_22, %dot_general3A {dimension_numbers = #tpu.dot_dimension_numbers<[1], [0], [0], [1], [0, 0, 1, 1], [], []>, transpose_lhs_hint = false} : vector<2000x64xf32>, vector<64x64xf32>, vector<2000x64xf32> -> vector<2000x64xf32>
    %get3A_24 = arith.constant 0 : index
    %get3A_25 = arith.constant 0 : index
    %get3A_26 = vector.load %arg7[%get3A_24, %get3A_25] : memref<1x64xf32, #tpu.memory_space<vmem>>, vector<1x64xf32>
    %add3A_27 = vector.broadcast %get3A_26 : vector<1x64xf32> to vector<2000x64xf32>
    %add3A_28 = arith.addf %dot_general3A_23, %add3A_27 : vector<2000x64xf32>
    %max3A_29 = arith.constant 0.000000e+00 : f32
    %max3A_30 = vector.broadcast %max3A_29 : f32 to vector<2000x64xf32>
    %max3A_31 = arith.maximumf %add3A_28, %max3A_30 : vector<2000x64xf32>
    %get3A_32 = arith.constant 0 : index
    %get3A_33 = arith.constant 0 : index
    %get3A_34 = vector.load %arg8[%get3A_32, %get3A_33] : memref<64x64xf32, #tpu.memory_space<vmem>>, vector<64x64xf32>
    %dot_general3A_35 = arith.constant dense<0.000000e+00> : vector<2000x64xf32>
    %dot_general3A_36 = tpu.matmul %max3A_31, %get3A_34, %dot_general3A_35 {dimension_numbers = #tpu.dot_dimension_numbers<[1], [0], [0], [1], [0, 0, 1, 1], [], []>, transpose_lhs_hint = false} : vector<2000x64xf32>, vector<64x64xf32>, vector<2000x64xf32> -> vector<2000x64xf32>
    %swap3A = arith.constant 0 : index
    %swap3A_37 = arith.constant 0 : index
    %swap3A_38 = vector.load %arg9[%swap3A, %swap3A_37] : memref<2000x64xf32, #tpu.memory_space<vmem>>, vector<2000x64xf32>
    tpu.vector_store %arg9[%swap3A, %swap3A_37], %dot_general3A_36 {strides = array<i32>} : memref<2000x64xf32, #tpu.memory_space<vmem>>, vector<2000x64xf32>,
    return
  }
  func.func @transform_0(%arg0: i32) -> (i32, i32) {
    %c0_i32 = arith.constant 0 : i32
    %c0_i32_0 = arith.constant 0 : i32
    return %arg0, %c0_i32 : i32, i32
  }
  func.func @transform_1(%arg0: i32) -> (i32, i32) {
    %c0_i32 = arith.constant 0 : i32
    %c0_i32_0 = arith.constant 0 : i32
    return %arg0, %c0_i32 : i32, i32
  }
  func.func @transform_2(%arg0: i32) -> (i32, i32) {
    %c0_i32 = arith.constant 0 : i32
    %c0_i32_0 = arith.constant 0 : i32
    return %arg0, %c0_i32 : i32, i32
  }
  func.func @transform_3(%arg0: i32) -> (i32, i32) {
    %c0_i32 = arith.constant 0 : i32
    %c0_i32_0 = arith.constant 0 : i32
    %c0_i32_1 = arith.constant 0 : i32
    return %c0_i32, %c0_i32_0 : i32, i32
  }
  func.func @transform_4(%arg0: i32) -> (i32, i32) {
    %c0_i32 = arith.constant 0 : i32
    %c0_i32_0 = arith.constant 0 : i32
    %c0_i32_1 = arith.constant 0 : i32
    return %c0_i32, %c0_i32_0 : i32, i32
  }
  func.func @transform_5(%arg0: i32) -> (i32, i32) {
    %c0_i32 = arith.constant 0 : i32
    %c0_i32_0 = arith.constant 0 : i32
    %c0_i32_1 = arith.constant 0 : i32
    return %c0_i32, %c0_i32_0 : i32, i32
  }
  func.func @transform_6(%arg0: i32) -> (i32, i32) {
    %c0_i32 = arith.constant 0 : i32
    %c0_i32_0 = arith.constant 0 : i32
    %c0_i32_1 = arith.constant 0 : i32
    return %c0_i32, %c0_i32_0 : i32, i32
  }
  func.func @transform_7(%arg0: i32) -> (i32, i32) {
    %c0_i32 = arith.constant 0 : i32
    %c0_i32_0 = arith.constant 0 : i32
    %c0_i32_1 = arith.constant 0 : i32
    return %c0_i32, %c0_i32_0 : i32, i32
  }
  func.func @transform_8(%arg0: i32) -> (i32, i32) {
    %c0_i32 = arith.constant 0 : i32
    %c0_i32_0 = arith.constant 0 : i32
    return %arg0, %c0_i32 : i32, i32
  }
}

module attributes {stable_mosaic.version = 14 : i64} {
  func.func @_combine_last_body(%arg0: i32, %arg1: memref<2000x64xf32, #tpu.memory_space<vmem>>, %arg2: memref<2000x64xf32, #tpu.memory_space<vmem>>, %arg3: memref<2000x64xf32, #tpu.memory_space<vmem>>, %arg4: memref<1x64xf32, #tpu.memory_space<vmem>>, %arg5: memref<1x64xf32, #tpu.memory_space<vmem>>, %arg6: memref<64x64xf32, #tpu.memory_space<vmem>>, %arg7: memref<1x64xf32, #tpu.memory_space<vmem>>, %arg8: memref<2000x64xf32, #tpu.memory_space<vmem>>) attributes {dimension_semantics = [#tpu.dimension_semantics<arbitrary>], iteration_bounds = array<i64: 5>, scalar_prefetch = 0 : i64, scratch_operands = 0 : i64, tpu.core_type = #tpu.core_type<tc>, window_params = [{transform_indices = @transform_0, window_bounds = array<i64: 2000, 64>}, {transform_indices = @transform_1, window_bounds = array<i64: 2000, 64>}, {transform_indices = @transform_2, window_bounds = array<i64: 2000, 64>}, {pipeline_mode = #tpu.pipeline_mode<synchronous>, transform_indices = @transform_3, window_bounds = array<i64: 1, 64>}, {pipeline_mode = #tpu.pipeline_mode<synchronous>, transform_indices = @transform_4, window_bounds = array<i64: 1, 64>}, {pipeline_mode = #tpu.pipeline_mode<synchronous>, transform_indices = @transform_5, window_bounds = array<i64: 64, 64>}, {pipeline_mode = #tpu.pipeline_mode<synchronous>, transform_indices = @transform_6, window_bounds = array<i64: 1, 64>}, {transform_indices = @transform_7, window_bounds = array<i64: 2000, 64>}]} {
    %get3A = arith.constant 0 : index
    %get3A_0 = arith.constant 0 : index
    %get3A_1 = vector.load %arg1[%get3A, %get3A_0] : memref<2000x64xf32, #tpu.memory_space<vmem>>, vector<2000x64xf32>
    %get3A_2 = arith.constant 0 : index
    %get3A_3 = arith.constant 0 : index
    %get3A_4 = vector.load %arg4[%get3A_2, %get3A_3] : memref<1x64xf32, #tpu.memory_space<vmem>>, vector<1x64xf32>
    %mul3A = vector.broadcast %get3A_4 : vector<1x64xf32> to vector<2000x64xf32>
    %mul3A_5 = arith.mulf %get3A_1, %mul3A : vector<2000x64xf32>
    %get3A_6 = arith.constant 0 : index
    %get3A_7 = arith.constant 0 : index
    %get3A_8 = vector.load %arg2[%get3A_6, %get3A_7] : memref<2000x64xf32, #tpu.memory_space<vmem>>, vector<2000x64xf32>
    %add3A = arith.addf %mul3A_5, %get3A_8 : vector<2000x64xf32>
    %get3A_9 = arith.constant 0 : index
    %get3A_10 = arith.constant 0 : index
    %get3A_11 = vector.load %arg3[%get3A_9, %get3A_10] : memref<2000x64xf32, #tpu.memory_space<vmem>>, vector<2000x64xf32>
    %add3A_12 = arith.addf %add3A, %get3A_11 : vector<2000x64xf32>
    %get3A_13 = arith.constant 0 : index
    %get3A_14 = arith.constant 0 : index
    %get3A_15 = vector.load %arg5[%get3A_13, %get3A_14] : memref<1x64xf32, #tpu.memory_space<vmem>>, vector<1x64xf32>
    %add3A_16 = vector.broadcast %get3A_15 : vector<1x64xf32> to vector<2000x64xf32>
    %add3A_17 = arith.addf %add3A_12, %add3A_16 : vector<2000x64xf32>
    %max3A = arith.constant 0.000000e+00 : f32
    %max3A_18 = vector.broadcast %max3A : f32 to vector<2000x64xf32>
    %max3A_19 = arith.maximumf %add3A_17, %max3A_18 : vector<2000x64xf32>
    %get3A_20 = arith.constant 0 : index
    %get3A_21 = arith.constant 0 : index
    %get3A_22 = vector.load %arg6[%get3A_20, %get3A_21] : memref<64x64xf32, #tpu.memory_space<vmem>>, vector<64x64xf32>
    %dot_general3A = arith.constant dense<0.000000e+00> : vector<2000x64xf32>
    %dot_general3A_23 = tpu.matmul %max3A_19, %get3A_22, %dot_general3A {dimension_numbers = #tpu.dot_dimension_numbers<[1], [0], [0], [1], [0, 0, 1, 1], [], []>, transpose_lhs_hint = false} : vector<2000x64xf32>, vector<64x64xf32>, vector<2000x64xf32> -> vector<2000x64xf32>
    %get3A_24 = arith.constant 0 : index
    %get3A_25 = arith.constant 0 : index
    %get3A_26 = vector.load %arg7[%get3A_24, %get3A_25] : memref<1x64xf32, #tpu.memory_space<vmem>>, vector<1x64xf32>
    %add3A_27 = vector.broadcast %get3A_26 : vector<1x64xf32> to vector<2000x64xf32>
    %add3A_28 = arith.addf %dot_general3A_23, %add3A_27 : vector<2000x64xf32>
    %swap3A = arith.constant 0 : index
    %swap3A_29 = arith.constant 0 : index
    %swap3A_30 = vector.load %arg8[%swap3A, %swap3A_29] : memref<2000x64xf32, #tpu.memory_space<vmem>>, vector<2000x64xf32>
    tpu.vector_store %arg8[%swap3A, %swap3A_29], %add3A_28 {strides = array<i32>} : memref<2000x64xf32, #tpu.memory_space<vmem>>, vector<2000x64xf32>,
    return
  }
  func.func @transform_0(%arg0: i32) -> (i32, i32) {
    %c0_i32 = arith.constant 0 : i32
    %c0_i32_0 = arith.constant 0 : i32
    return %arg0, %c0_i32 : i32, i32
  }
  func.func @transform_1(%arg0: i32) -> (i32, i32) {
    %c0_i32 = arith.constant 0 : i32
    %c0_i32_0 = arith.constant 0 : i32
    return %arg0, %c0_i32 : i32, i32
  }
  func.func @transform_2(%arg0: i32) -> (i32, i32) {
    %c0_i32 = arith.constant 0 : i32
    %c0_i32_0 = arith.constant 0 : i32
    return %arg0, %c0_i32 : i32, i32
  }
  func.func @transform_3(%arg0: i32) -> (i32, i32) {
    %c0_i32 = arith.constant 0 : i32
    %c0_i32_0 = arith.constant 0 : i32
    %c0_i32_1 = arith.constant 0 : i32
    return %c0_i32, %c0_i32_0 : i32, i32
  }
  func.func @transform_4(%arg0: i32) -> (i32, i32) {
    %c0_i32 = arith.constant 0 : i32
    %c0_i32_0 = arith.constant 0 : i32
    %c0_i32_1 = arith.constant 0 : i32
    return %c0_i32, %c0_i32_0 : i32, i32
  }
  func.func @transform_5(%arg0: i32) -> (i32, i32) {
    %c0_i32 = arith.constant 0 : i32
    %c0_i32_0 = arith.constant 0 : i32
    %c0_i32_1 = arith.constant 0 : i32
    return %c0_i32, %c0_i32_0 : i32, i32
  }
  func.func @transform_6(%arg0: i32) -> (i32, i32) {
    %c0_i32 = arith.constant 0 : i32
    %c0_i32_0 = arith.constant 0 : i32
    %c0_i32_1 = arith.constant 0 : i32
    return %c0_i32, %c0_i32_0 : i32, i32
  }
  func.func @transform_7(%arg0: i32) -> (i32, i32) {
    %c0_i32 = arith.constant 0 : i32
    %c0_i32_0 = arith.constant 0 : i32
    return %arg0, %c0_i32 : i32, i32
  }
}

</mosaic_0001>

<sc_bundles>
// kernel: kernel.12.cloned.1.call-start
scs
__scs_entry_jumppad:
0x0: {  	(pc) =	sbr.rel $0x88, $3  }
0x1: {  	(tag) =	ssettag $0x0;
	lr =	simm.s32 $0x1  }
0x2: {  	[smem:$0x3F84] =	sst lr;
	_ =	strace $0xD0000000  }
0x3: {  	_ = 	snop  }
0x4: {  	_ = 	snop  }
0x5: {  	_ = 	snop  }
0x6: {  	_ = 	snop  }
0x7: {  	_ = 	snop  }
__scs_overlays_trampoline_lowered:
0x8: {  	[smem:$0x3F93] =	sst s0  }
0x9: {  	[smem:$0x3F94] =	sst s1  }
0xa: {  	[smem:$0x3F95] =	sst s2  }
0xb: {  	[smem:$0x3F96] =	sst s3  }
0xc: {  	[smem:$0x3F97] =	sst s4  }
0xd: {  	[smem:$0x3F98] =	sst s5  }
0xe: {  	[smem:$0x3F99] =	sst s6  }
0xf: {  	[smem:$0x3F9A] =	sst s7  }
0x10: {  	[smem:$0x3F9B] =	sst s8  }
0x11: {  	[smem:$0x3F9C] =	sst s9;
	s0 =	simm.s32 @!p0 $0x0  }
0x12: {  	s1 =	sld [smem:$0x3F82];
	s0 =	simm.s32 @p0 $0x1  }
0x13: {  	[smem:$0x3F9D] =	sst s0;
	s0 =	simm.s32 @!p1 $0x0  }
0x14: {  	s2 =	sld [smem:$0x3F81];
	s0 =	simm.s32 @p1 $0x1  }
0x15: {  	[smem:$0x3F9E] =	sst s0;
	s0 =	simm.s32 @!p2 $0x0  }
0x16: {  	s3 =	sld [smem:$0x3FDB];
	s0 =	simm.s32 @p2 $0x1  }
0x17: {  	s4 =	simm.s32 $0x1BF5;
	[smem:$0x3FA0] =	sst s0  }
0x18: {  	s0 =	sld [smem:$0x3F83];
	_ =	swait.ge [sflag:s4], $0x0  }
0x19: {  	s7 =	sld [smem:$0x3F84]  }
0x1a: {  	s8 =	sadd.s32 $0xFFFFE003, lr  }
0x1b: {  	s9 =	sadd.s32 $0xFFFFFEF7, lr;
	s5 =	simm.s32 $0xFFFFFFFF;
	p2 =	slt.u32 s8, $0xFFFFF086  }
0x1c: {  	p1 =	slt.u32 s9, $0xF7A;
	s5 =	simm.s32 @!p2 $0x0  }
0x1d: {  	s5 =	simm.s32 @p1 $0x1;
	p0 =	seq.s32 s7, s2  }
0x1e: {  	s7 =	smul.u32 @!p0 $0xF7A, s2;
	p2 =	seq.s32 @!p0 s5, $0x0  }
0x1f: {  	s9 =	smul.u32 $0xF7A, s1;
	s8 =	simm.s32 @!p0 $0x1BF5;
	p2 =	por !p2, p0  }
0x20: {  	[sflag:s8] =	ssyncset.s32 @!p0 $0xFFFFF086;
	s6 =	sadd.s32 @!p0 s3, s7;
	s7 =	simm.s32 @!p0 $0x108  }
0x21: {  	s3 =	sadd.s32 s3, s9;
	s6 =	sadd.s32 @!p0 $0x88, s6;
	s7 =	simm.s32 @p2 $0x1082  }
0x22: {  	[simem:s7], [sflag:s8] =	dma.local @!p0 [hbm:s6], $0xF7A  }
0x23: {  	s9 =	sor.u32 $0xD0000000, s2;
	s6 =	simm.s32 $0x108;
	_ =	swait.ge @!p0 [sflag:s8], $0x0  }
0x24: {  	s3 =	sadd.s32 $0x88, s3;
	s6 =	simm.s32 @!p1 $0x1082;
	[sflag:s4] =	ssyncset.s32 $0xFFFFF086  }
0x25: {  	[simem:s6], [sflag:s4] =	dma.local [hbm:s3], $0xF7A  }
0x26: {  	[smem:$0x3F84] =	sst s1;
	(tag) =	ssettag s2;
	_ =	strace s9  }
0x27: {  	s1 =	sld [smem:$0x3F94]  }
0x28: {  	s2 =	sld [smem:$0x3F95]  }
0x29: {  	s4 =	sld [smem:$0x3F97]  }
0x2a: {  	p0 =	seq.s32 s5, $0x0;
	s5 =	sld [smem:$0x3F98]  }
0x2b: {  	s6 =	sld [smem:$0x3F99]  }
0x2c: {  	s7 =	sld [smem:$0x3F9A]  }
0x2d: {  	s3 =	simm.s32 $0x108;
	s8 =	sld [smem:$0x3F9B]  }
0x2e: {  	s3 =	simm.s32 @!p0 $0x1082;
	s9 =	sld [smem:$0x3F9C]  }
0x2f: {  	lr =	sadd.s32 s0, s3;
	s0 =	sld [smem:$0x3F93]  }
0x30: {  	s3 =	sld [smem:$0x3F96]  }
0x31: {  	[smem:$0x3F9F] =	sst s10  }
0x32: {  	s10 =	sld [smem:$0x3F9D];
	_ =	sdelay $0x3  }
0x33: {  	p0 =	seq.s32 s10, $0x1;
	s10 =	sld [smem:$0x3F9F];
	_ =	sdelay $0x3  }
0x34: {  	[smem:$0x3F9F] =	sst s10  }
0x35: {  	s10 =	sld [smem:$0x3F9E];
	_ =	sdelay $0x3  }
0x36: {  	p1 =	seq.s32 s10, $0x1;
	s10 =	sld [smem:$0x3F9F];
	_ =	sdelay $0x3  }
0x37: {  	[smem:$0x3F9F] =	sst s10  }
0x38: {  	s10 =	sld [smem:$0x3FA0]  }
0x39: {  	_ = 	snop;
	(pc) =	sbr.ind lr, $3  }
0x3a: {  	_ = 	snop  }
0x3b: {  	_ = 	snop  }
0x3c: {  	p2 =	seq.s32 s10, $0x1;
	s10 =	sld [smem:$0x3F9F]  }
0x3d: {  	_ =	shalt  }
0x3e: {  	_ =	shalt  }
0x3f: {  	_ =	shalt  }
0x40: {  	_ =	shalt  }
0x41: {  	_ =	shalt  }
0x42: {  	_ =	shalt  }
0x43: {  	_ =	shalt  }
0x44: {  	_ =	shalt  }
0x45: {  	_ =	shalt  }
0x46: {  	_ =	shalt  }
0x47: {  	_ =	shalt  }
0x48: {  	_ =	shalt  }
0x49: {  	_ =	shalt  }
0x4a: {  	_ =	shalt  }
0x4b: {  	_ =	shalt  }
0x4c: {  	_ =	shalt  }
0x4d: {  	_ =	shalt  }
0x4e: {  	_ =	shalt  }
0x4f: {  	_ =	shalt  }
0x50: {  	_ =	shalt  }
0x51: {  	_ =	shalt  }
0x52: {  	_ =	shalt  }
0x53: {  	_ =	shalt  }
0x54: {  	_ =	shalt  }
0x55: {  	_ =	shalt  }
0x56: {  	_ =	shalt  }
0x57: {  	_ =	shalt  }
0x58: {  	_ =	shalt  }
0x59: {  	_ =	shalt  }
0x5a: {  	_ =	shalt  }
0x5b: {  	_ =	shalt  }
0x5c: {  	_ =	shalt  }
0x5d: {  	_ =	shalt  }
0x5e: {  	_ =	shalt  }
0x5f: {  	_ =	shalt  }
0x60: {  	_ =	shalt  }
0x61: {  	_ =	shalt  }
0x62: {  	_ =	shalt  }
0x63: {  	_ =	shalt  }
0x64: {  	_ =	shalt  }
0x65: {  	_ =	shalt  }
0x66: {  	_ =	shalt  }
0x67: {  	_ =	shalt  }
0x68: {  	_ =	shalt  }
0x69: {  	_ =	shalt  }
0x6a: {  	_ =	shalt  }
0x6b: {  	_ =	shalt  }
0x6c: {  	_ =	shalt  }
0x6d: {  	_ =	shalt  }
0x6e: {  	_ =	shalt  }
0x6f: {  	_ =	shalt  }
0x70: {  	_ =	shalt  }
0x71: {  	_ =	shalt  }
0x72: {  	_ =	shalt  }
0x73: {  	_ =	shalt  }
0x74: {  	_ =	shalt  }
0x75: {  	_ =	shalt  }
0x76: {  	_ =	shalt  }
0x77: {  	_ =	shalt  }
0x78: {  	_ =	shalt  }
0x79: {  	_ =	shalt  }
0x7a: {  	_ =	shalt  }
0x7b: {  	_ =	shalt  }
0x7c: {  	_ =	shalt  }
0x7d: {  	_ =	shalt  }
0x7e: {  	_ =	shalt  }
0x7f: {  	_ =	shalt  }
0x80: {  	_ =	shalt  }
0x81: {  	_ =	shalt  }
0x82: {  	_ =	shalt  }
0x83: {  	_ =	shalt  }
0x84: {  	_ =	shalt  }
0x85: {  	_ =	shalt  }
0x86: {  	_ =	shalt  }
0x87: {  	_ =	shalt  }
.Lfunc_end0:
.L_simem_size_0:
called_computation.1_lowered:
.L_overlay_start_0:
0x88: {  	s2 =	sld [smem:$0x3FD9]  }
0x89: {  	s3 =	sld [smem:$0x3FFE];
	_ =	sdelay $0x1  }
0x8a: {  	s1 =	srdreg.scid  }
0x8b: {  	s0 =	sand.u32 $0x1, s1  }
0x8c: {  	s17 =	sshll.u32 s0, $0xA;
	s2 =	sadd.s32 s3, s2  }
0x8d: {  	s2 =	sadd.s32 s2, s17  }
0x8e: {  	[smem:$0x3FAB] =	sst s2  }
0x8f: {  	_ = 	snop  }
0x90: {  	s2 =	sld [smem:$0x3FD0];
	(tm) =	ssettm $0x1  }
0x91: {  	s18 =	sld [smem:$0x3FFB];
	_ =	sdelay $0x3  }
0x92: {  	_ =	strace s18  }
0x93: {  	s3 =	sld [smem:$0x3FFC];
	_ =	sdelay $0x3  }
0x94: {  	_ =	strace s3  }
0x95: {  	s3 =	sld [smem:$0x3FFD];
	_ =	sdelay $0x3  }
0x96: {  	_ =	strace s3  }
0x97: {  	_ =	strace $0x8FFFFFFF  }
0x98: {  	s19 =	sld [smem:$0x3FDB];
	_ =	sdelay $0x1  }
0x99: {  	s4 =	simm.s32 $_scs_section_size  }
0x9a: {  	s5 =	simm.s32 $_size__tile_overlayer_lowered;
	s6 =	simm.s32 $_tile_overlayer_lowered  }
0x9b: {  	s22 =	simm.s32 $0x1BFF;
	s21 =	sshll.u32 s6, $0x1;
	s3 =	sadd.s32 s4, s19  }
0x9c: {  	s7 =	simm.s32 $0x0;
	s20 =	sshll.u32 s5, $0x1;
	s5 =	sadd.s32 s21, s3  }
0x9d: {  	[timem:s7], [sflag:s22] =	dma.local [hbm:s5], s20  }
0x9e: {  	_ =	swait.ge [sflag:s22], s20  }
0x9f: {  	s4 =	ssub.s32 $0x0, s20;
	[sflag:s22] =	ssyncset.done $0x0  }
0xa0: {  	[sflag:s22] =	ssyncadd.s32 s4;
	_ =	sdelay $0x1  }
0xa1: {  	s23 =	simm.s32 $0x1B8B  }
0xa2: {  	_ =	swait.ge [sflag:s23], $0x1  }
0xa3: {  	[sflag:s23] =	ssyncset.done $0x0  }
0xa4: {  	s25 =	simm.s32 $0x1B8E;
	s24 =	sld [smem:$0x3FFE];
	[sflag:s23] =	ssyncadd.s32 $0xFFFFFFFF  }
0xa5: {  	s26 =	simm.s32 $execute0_lowered;
	[smem:$0x3FD2] =	sst s25  }
0xa6: {  	s5 =	sshll.u32 s26, $0x1;
	_ =	strace $0x80000049;
	[dreg:$0x1] =	wrdreg $0xFFFFFFFF  }
0xa7: {  	s28 =	simm.s32 $_size_execute0_lowered;
	s3 =	sadd.s32 s3, s5;
	[dreg:$0x0] =	wrdreg $0x0  }
0xa8: {  	s5 =	sshll.u32 s28, $0x1;
	[dreg:$0x2] =	wrdreg s3  }
0xa9: {  	[dreg:$0x3] =	wrdreg s5  }
0xaa: {  	[dreg:$0x4] =	wrdreg $0xC0  }
0xab: {  	_ =	task [dreg:s7], $0x5FFFF  }
0xac: {  	[dreg:$0x1] =	wrdreg $0xFFFFFFFF  }
0xad: {  	[dreg:$0x0] =	wrdreg $0x60  }
0xae: {  	[dreg:$0x2] =	wrdreg s2  }
0xaf: {  	[dreg:$0x3] =	wrdreg s24  }
0xb0: {  	[dreg:$0x4] =	wrdreg $0x10E000  }
0xb1: {  	[dreg:$0x5] =	wrdreg $0x9  }
0xb2: {  	_ =	task.clear_ibuf [dreg:s7], $0x6FFFF;
	_ =	strace $0x90000049  }
0xb3: {  	s29 =	simm.s32 $0x9;
	_ =	strace $0x8000004B  }
0xb4: {  	_ =	swait.ge [sflag:s29], $0x1  }
0xb5: {  	[sflag:s29] =	ssyncadd.s32 $0xFFFFFFFF  }
0xb6: {  	_ =	strace $0x9000004B  }
0xb7: {  	_ =	sfence  }
0xb8: {  	s30 =	sld [smem:$0x0];
	_ =	sdelay $0x2  }
0xb9: {  	s31 =	sshll.u32 s1, $0xD;
	s1 =	sshrl.u32 s1, $0x2  }
0xba: {  	s3 =	sand.u32 $0x4000, s31;
	s1 =	sadd.s32 s1, s30  }
0xbb: {  	s0 =	sor.u32 s3, s0;
	s1 =	sshll.u32 s1, $0x11  }
0xbc: {  	s0 =	sor.u32 s1, s0  }
0xbd: {  	s0 =	sadd.s32 $0x8F2B, s0  }
0xbe: {  	[sflag:s0] =	ssyncadd.remote.s32 $0x1  }
0xbf: {  	_ =	sfence.sel $0xFFFF  }
0xc0: {  	[dreg:$0x0] =	wrdreg $0xFFFFFFFF;
	(pc) =	sbr.abs _section_cstart, $3  }
0xc1: {  	[dreg:$0x1] =	wrdreg $0xFFFFFFFF  }
0xc2: {  	_ =	task.clear_ibuf [dreg:s7], $0x2FFFF;
	_ =	strace $0x9FFFFFFF  }
0xc3: {  	(tm) =	ssettm $0x7FFFFFFF  }
tec
execute0_lowered:
.L_overlay_start_1:
0x0: {  	(tag) =	ssettag $0x1  }
0x1: {  	s2 =	rddreg [dreg:$0x0]  }
0x2: {  	s5 =	rddreg [dreg:$0x1]  }
0x3: {  	s3 =	rddreg [dreg:$0x2];
	s4 =	srdreg.scid  }
0x4: {  	s1 =	stileid.u32;
	s0 =	rddreg [dreg:$0x3];
	s11 =	simm.s32 $0x2  }
0x5: {  	s12 =	simm.s32 $0x2800;
	s13 =	simm.s32 $0x80;
	s14 =	simm.s32 $0x5000  }
0x6: {  	s15 =	simm.s32 $0x1;
	s6 =	sand.u32 $0x1, s4;
	s7 =	smul.u32 $0x9E00, s1  }
0x7: {  	s4 =	simm.s32 $0x0;
	s8 =	sshll.u32 s1, $0x1;
	s9 =	smul.u32 $0x9E000, s6  }
0x8: {  	s16 =	simm.s32 $0x0;
	[smem:$0x7FF] =	sst s4;
	s8 =	sor.u32 s6, s8  }
0x9: {  	s6 =	ssub.s32 $0x2, s6;
	s8 =	smul.u32 $0x500, s8;
	s9 =	sadd.s32 s7, s9  }
0xa: {  	_ =	strace $0x8000004A;
	s10 =	sshrl.u32 s6, $0x1;
	s9 =	sshrl.u32 s9, $0x3  }
0xb: {  	s10 =	ssub.s32 s6, s10;
	s8 =	sadd.s32 s8, s5;
	s9 =	sadd.s32 s9, s5  }
0xc: {  	s5 =	sadd.s32 s7, s3;
	s6 =	sadd.s32 $0xEC00, s8;
	s7 =	sadd.s32 $0x4C00, s8  }
0xd: {  	v0 =	vimm.f32 $0.0e+00;
	s8 =	sadd.s32 $0x18C00, s9;
	s9 =	smax.u32 s10, $0x1;
	s10 =	simm.s32 $0x7000  }
.LBB2_1:
0xe: {  	s18 =	simm.s32 $0x100;
	s17 =	simm.s32 $0x0  }
.LBB2_2:
0xf: {  	p0 =	sne.s32 s18, $0x27700;
	[tilespmem:s17+$0x7030] =	vst v0;
	s19 =	smov.u32 s18;
	s18 =	sadd.s32 $0x100, s18  }
.Ltmp0:
0x10: {  	[tilespmem:s17+$0x7020] =	vst v0;
	(pc) =	sbr.rel @p0 .LBB2_2-.Ltmp0, $3  }
0x11: {  	[tilespmem:s17+$0x7000] =	vst v0  }
0x12: {  	[tilespmem:s17+$0x7010] =	vst v0;
	_ =	sdelay $0x1  }
0x13: {  	s17 =	sshra.s32 s19, $0x2  }
0x14: {  	[tilespmem:s17+$0x7030] =	vst v0  }
0x15: {  	[tilespmem:s17+$0x7020] =	vst v0  }
0x16: {  	[tilespmem:s17+$0x7000] =	vst v0  }
0x17: {  	[tilespmem:s17+$0x7010] =	vst v0  }
0x18: {  	[spmem:s5] =	stream.linear.scatter [tilespmem:s10], [sflag:$0x2], $0x9E00, $0x38;
	[tilespmem:$0x1AC00] =	vst v63  }
0x19: {  	_ =	swait.ge [sflag:s11], $0x9E00  }
0x1a: {  	[sflag:s11] =	ssyncset.done $0x0  }
0x1b: {  	s29 =	simm.s32 $0x0;
	[sflag:s11] =	ssyncadd.s32 $0xFFFF6200  }
0x1c: {  	[tilespmem:s29], [sflag:$0x2] =	stream.linear.gather [hbm4b:s6+s29], $0x2800, $0x38;
	[tilespmem:$0x1AC00] =	vst v63  }
0x1d: {  	_ =	swait.ge [sflag:s11], $0x2800  }
0x1e: {  	[sflag:s11] =	ssyncset.done $0x0  }
0x1f: {  	[sflag:s11] =	ssyncadd.s32 $0xFFFFD800  }
0x20: {  	[tilespmem:s12], [sflag:$0x2] =	stream.linear.gather [hbm4b:s7+s29], $0x2800, $0x38;
	[tilespmem:$0x1AC00] =	vst v63  }
0x21: {  	_ =	swait.ge [sflag:s11], $0x2800  }
0x22: {  	[sflag:s11] =	ssyncset.done $0x0  }
0x23: {  	[sflag:s11] =	ssyncadd.s32 $0xFFFFD800  }
0x24: {  	s30 =	simm.s32 $0x0;
	[bflag:$0x0] =	sbarrier.arrive $0xFFFF  }
0x25: {  	[tilespmem:s14], [sflag:$0x1] =	stream.indirect.gather [hbm4b:s2+s13], $0x40, s30, s13, $0xb8;
	[tilespmem:$0x1AC00] =	vst v63  }
0x26: {  	_ =	swait.ge [sflag:s15], $0x2000  }
0x27: {  	[sflag:s15] =	ssyncset.done $0x0  }
0x28: {  	s31 =	simm.s32 $0x2800;
	[sflag:s15] =	ssyncadd.s32 $0xFFFFE000  }
0x29: {  	[spmem:s3] =	stream.indirect.scatter.add.f32 [tilespmem:s14], [sflag:$0x2], $0x40, s31, s13, $0xb8;
	[tilespmem:$0x1AC00] =	vst v63  }
0x2a: {  	_ =	swait.ge [sflag:s11], $0x2000  }
0x2b: {  	s17 =	simm.s32 $0x200;
	s18 =	simm.s32 $0x400;
	[sflag:s11] =	ssyncset.done $0x0  }
.LBB2_4:
0x2c: {  	s19 =	sshra.s32 s17, $0x2  }
0x2d: {  	[sflag:s11] =	ssyncadd.s32 $0xFFFFE000;
	s17 =	smov.u32 s18;
	s20 =	sadd.s32 $0x200, s18  }
0x2e: {  	[tilespmem:s14], [sflag:$0x1] =	stream.indirect.gather [hbm4b:s2+s13], $0x40, s19, s13, $0xb8;
	[tilespmem:$0x1AC00] =	vst v63  }
0x2f: {  	p0 =	sne.s32 s18, $0x9E00;
	_ =	swait.ge [sflag:s15], $0x2000  }
.Ltmp1:
0x30: {  	[sflag:s15] =	ssyncset.done $0x0;
	(pc) =	sbr.rel @p0 .LBB2_4-.Ltmp1, $4  }
0x31: {  	s18 =	sadd.s32 $0x2800, s19;
	[sflag:s15] =	ssyncadd.s32 $0xFFFFE000  }
0x32: {  	[spmem:s3] =	stream.indirect.scatter.add.f32 [tilespmem:s14], [sflag:$0x2], $0x40, s18, s13, $0xb8;
	[tilespmem:$0x1AC00] =	vst v63  }
0x33: {  	_ =	swait.ge [sflag:s11], $0x2000  }
0x34: {  	s18 =	smov.u32 s20;
	[sflag:s11] =	ssyncset.done $0x0  }
0x35: {  	s17 =	sshra.s32 s17, $0x2;
	[sflag:s11] =	ssyncadd.s32 $0xFFFFE000  }
0x36: {  	[tilespmem:s14], [sflag:$0x1] =	stream.indirect.gather [hbm4b:s2+s13], $0x40, s17, s13, $0xb8;
	[tilespmem:$0x1AC00] =	vst v63  }
0x37: {  	_ =	swait.ge [sflag:s15], $0x2000  }
0x38: {  	[sflag:s15] =	ssyncset.done $0x0  }
0x39: {  	s17 =	sadd.s32 $0x2800, s17;
	[sflag:s15] =	ssyncadd.s32 $0xFFFFE000  }
0x3a: {  	[spmem:s3] =	stream.indirect.scatter.add.f32 [tilespmem:s14], [sflag:$0x2], $0x40, s17, s13, $0xb8;
	[tilespmem:$0x1AC00] =	vst v63  }
0x3b: {  	_ =	swait.ge [sflag:s11], $0x2000  }
0x3c: {  	[sflag:s11] =	ssyncset.done $0x0  }
0x3d: {  	[sflag:s11] =	ssyncadd.s32 $0xFFFFE000  }
0x3e: {  	[bflag:$0x0] =	sbarrier.arrive $0xFFFF  }
0x3f: {  	[tilespmem:s10], [sflag:$0x2] =	stream.linear.gather [spmem:s5], $0x9E00, $0x38;
	[tilespmem:$0x1AC00] =	vst v63  }
0x40: {  	s16 =	sadd.s32 $0x1, s16;
	_ =	swait.ge [sflag:s11], $0x9E00  }
0x41: {  	p0 =	sne.s32 s16, s9;
	[sflag:s11] =	ssyncset.done $0x0  }
.Ltmp2:
0x42: {  	[sflag:s11] =	ssyncadd.s32 $0xFFFF6200;
	(pc) =	sbr.rel @p0 .LBB2_1-.Ltmp2, $4  }
0x43: {  	[hbm4b:s8+s4] =	stream.linear.scatter [tilespmem:s10], [sflag:$0x2], $0x9E00, $0x38;
	[tilespmem:$0x1AC00] =	vst v63  }
0x44: {  	_ =	swait.ge [sflag:s11], $0x9E00  }
0x45: {  	[sflag:s11] =	ssyncset.done $0x0  }
0x46: {  	[sflag:s11] =	ssyncadd.s32 $0xFFFF6200  }
0x47: {  	_ =	sfence.sel $0x180000  }
0x48: {  	[bflag:$0x0] =	sbarrier.arrive $0xFFFF  }
0x49: {  	p0 =	sne.s32 s1, $0x0;
	_ =	strace $0x9000004A  }
0x4a: {  	s0 =	sadd.s32 @!p0 $0x100000, s0;
	[bflag:$0x2] =	sbarrier.arrive $0xFFFF  }
0x4b: {  	[sflag:s0] =	ssyncadd.tile.s32 @!p0 $0x1;
	_ =	shalt  }
.Lfunc_end2:
_tile_overlayer_lowered:
.L_overlay_start_2:
0x4c: {  	(tag) =	ssettag $0x2  }
0x4d: {  	s0 =	rddreg [dreg:$0x0];
	s2 =	stileid.u32  }
0x4e: {  	s1 =	rddreg [dreg:$0x1];
	p0 =	sne.s32 s2, $0x0  }
0x4f: {  	s3 =	rddreg [dreg:$0x2];
	[bflag:$0x3] =	sbarrier.arrive $0xFFFF;
	s2 =	simm.s32 @!p0 $0x1C02  }
0x50: {  	[timem:s3], [sflag:s2] =	dma.local @!p0 [hbm:s0], s1  }
0x51: {  	s0 =	simm.s32 @!p0 $0x2  }
0x52: {  	_ =	swait.ge @!p0 [sflag:s0], s1  }
0x53: {  	s1 =	ssub.s32 @!p0 $0x0, s1;
	[sflag:s0] =	ssyncset.done @!p0 $0x0  }
0x54: {  	[sflag:s0] =	ssyncadd.s32 @!p0 s1  }
0x55: {  	[bflag:$0x3] =	sbarrier.arrive $0xFFFF  }
0x56: {  	_ =	shalt  }

// kernel: kernel.15.cloned.1.call-start
scs
__scs_entry_jumppad:
0x0: {  	(pc) =	sbr.rel $0x88, $3  }
0x1: {  	(tag) =	ssettag $0x0;
	lr =	simm.s32 $0x1  }
0x2: {  	[smem:$0x3F84] =	sst lr;
	_ =	strace $0xD0000000  }
0x3: {  	_ = 	snop  }
0x4: {  	_ = 	snop  }
0x5: {  	_ = 	snop  }
0x6: {  	_ = 	snop  }
0x7: {  	_ = 	snop  }
__scs_overlays_trampoline_lowered:
0x8: {  	[smem:$0x3F93] =	sst s0  }
0x9: {  	[smem:$0x3F94] =	sst s1  }
0xa: {  	[smem:$0x3F95] =	sst s2  }
0xb: {  	[smem:$0x3F96] =	sst s3  }
0xc: {  	[smem:$0x3F97] =	sst s4  }
0xd: {  	[smem:$0x3F98] =	sst s5  }
0xe: {  	[smem:$0x3F99] =	sst s6  }
0xf: {  	[smem:$0x3F9A] =	sst s7  }
0x10: {  	[smem:$0x3F9B] =	sst s8  }
0x11: {  	[smem:$0x3F9C] =	sst s9;
	s0 =	simm.s32 @!p0 $0x0  }
0x12: {  	s1 =	sld [smem:$0x3F82];
	s0 =	simm.s32 @p0 $0x1  }
0x13: {  	[smem:$0x3F9D] =	sst s0;
	s0 =	simm.s32 @!p1 $0x0  }
0x14: {  	s2 =	sld [smem:$0x3F81];
	s0 =	simm.s32 @p1 $0x1  }
0x15: {  	[smem:$0x3F9E] =	sst s0;
	s0 =	simm.s32 @!p2 $0x0  }
0x16: {  	s3 =	sld [smem:$0x3FDB];
	s0 =	simm.s32 @p2 $0x1  }
0x17: {  	s4 =	simm.s32 $0x1BF5;
	[smem:$0x3FA0] =	sst s0  }
0x18: {  	s0 =	sld [smem:$0x3F83];
	_ =	swait.ge [sflag:s4], $0x0  }
0x19: {  	s7 =	sld [smem:$0x3F84]  }
0x1a: {  	s8 =	sadd.s32 $0xFFFFE003, lr  }
0x1b: {  	s9 =	sadd.s32 $0xFFFFFEF7, lr;
	s5 =	simm.s32 $0xFFFFFFFF;
	p2 =	slt.u32 s8, $0xFFFFF086  }
0x1c: {  	p1 =	slt.u32 s9, $0xF7A;
	s5 =	simm.s32 @!p2 $0x0  }
0x1d: {  	s5 =	simm.s32 @p1 $0x1;
	p0 =	seq.s32 s7, s2  }
0x1e: {  	s7 =	smul.u32 @!p0 $0xF7A, s2;
	p2 =	seq.s32 @!p0 s5, $0x0  }
0x1f: {  	s9 =	smul.u32 $0xF7A, s1;
	s8 =	simm.s32 @!p0 $0x1BF5;
	p2 =	por !p2, p0  }
0x20: {  	[sflag:s8] =	ssyncset.s32 @!p0 $0xFFFFF086;
	s6 =	sadd.s32 @!p0 s3, s7;
	s7 =	simm.s32 @!p0 $0x108  }
0x21: {  	s3 =	sadd.s32 s3, s9;
	s6 =	sadd.s32 @!p0 $0x88, s6;
	s7 =	simm.s32 @p2 $0x1082  }
0x22: {  	[simem:s7], [sflag:s8] =	dma.local @!p0 [hbm:s6], $0xF7A  }
0x23: {  	s9 =	sor.u32 $0xD0000000, s2;
	s6 =	simm.s32 $0x108;
	_ =	swait.ge @!p0 [sflag:s8], $0x0  }
0x24: {  	s3 =	sadd.s32 $0x88, s3;
	s6 =	simm.s32 @!p1 $0x1082;
	[sflag:s4] =	ssyncset.s32 $0xFFFFF086  }
0x25: {  	[simem:s6], [sflag:s4] =	dma.local [hbm:s3], $0xF7A  }
0x26: {  	[smem:$0x3F84] =	sst s1;
	(tag) =	ssettag s2;
	_ =	strace s9  }
0x27: {  	s1 =	sld [smem:$0x3F94]  }
0x28: {  	s2 =	sld [smem:$0x3F95]  }
0x29: {  	s4 =	sld [smem:$0x3F97]  }
0x2a: {  	p0 =	seq.s32 s5, $0x0;
	s5 =	sld [smem:$0x3F98]  }
0x2b: {  	s6 =	sld [smem:$0x3F99]  }
0x2c: {  	s7 =	sld [smem:$0x3F9A]  }
0x2d: {  	s3 =	simm.s32 $0x108;
	s8 =	sld [smem:$0x3F9B]  }
0x2e: {  	s3 =	simm.s32 @!p0 $0x1082;
	s9 =	sld [smem:$0x3F9C]  }
0x2f: {  	lr =	sadd.s32 s0, s3;
	s0 =	sld [smem:$0x3F93]  }
0x30: {  	s3 =	sld [smem:$0x3F96]  }
0x31: {  	[smem:$0x3F9F] =	sst s10  }
0x32: {  	s10 =	sld [smem:$0x3F9D];
	_ =	sdelay $0x3  }
0x33: {  	p0 =	seq.s32 s10, $0x1;
	s10 =	sld [smem:$0x3F9F];
	_ =	sdelay $0x3  }
0x34: {  	[smem:$0x3F9F] =	sst s10  }
0x35: {  	s10 =	sld [smem:$0x3F9E];
	_ =	sdelay $0x3  }
0x36: {  	p1 =	seq.s32 s10, $0x1;
	s10 =	sld [smem:$0x3F9F];
	_ =	sdelay $0x3  }
0x37: {  	[smem:$0x3F9F] =	sst s10  }
0x38: {  	s10 =	sld [smem:$0x3FA0]  }
0x39: {  	_ = 	snop;
	(pc) =	sbr.ind lr, $3  }
0x3a: {  	_ = 	snop  }
0x3b: {  	_ = 	snop  }
0x3c: {  	p2 =	seq.s32 s10, $0x1;
	s10 =	sld [smem:$0x3F9F]  }
0x3d: {  	_ =	shalt  }
0x3e: {  	_ =	shalt  }
0x3f: {  	_ =	shalt  }
0x40: {  	_ =	shalt  }
0x41: {  	_ =	shalt  }
0x42: {  	_ =	shalt  }
0x43: {  	_ =	shalt  }
0x44: {  	_ =	shalt  }
0x45: {  	_ =	shalt  }
0x46: {  	_ =	shalt  }
0x47: {  	_ =	shalt  }
0x48: {  	_ =	shalt  }
0x49: {  	_ =	shalt  }
0x4a: {  	_ =	shalt  }
0x4b: {  	_ =	shalt  }
0x4c: {  	_ =	shalt  }
0x4d: {  	_ =	shalt  }
0x4e: {  	_ =	shalt  }
0x4f: {  	_ =	shalt  }
0x50: {  	_ =	shalt  }
0x51: {  	_ =	shalt  }
0x52: {  	_ =	shalt  }
0x53: {  	_ =	shalt  }
0x54: {  	_ =	shalt  }
0x55: {  	_ =	shalt  }
0x56: {  	_ =	shalt  }
0x57: {  	_ =	shalt  }
0x58: {  	_ =	shalt  }
0x59: {  	_ =	shalt  }
0x5a: {  	_ =	shalt  }
0x5b: {  	_ =	shalt  }
0x5c: {  	_ =	shalt  }
0x5d: {  	_ =	shalt  }
0x5e: {  	_ =	shalt  }
0x5f: {  	_ =	shalt  }
0x60: {  	_ =	shalt  }
0x61: {  	_ =	shalt  }
0x62: {  	_ =	shalt  }
0x63: {  	_ =	shalt  }
0x64: {  	_ =	shalt  }
0x65: {  	_ =	shalt  }
0x66: {  	_ =	shalt  }
0x67: {  	_ =	shalt  }
0x68: {  	_ =	shalt  }
0x69: {  	_ =	shalt  }
0x6a: {  	_ =	shalt  }
0x6b: {  	_ =	shalt  }
0x6c: {  	_ =	shalt  }
0x6d: {  	_ =	shalt  }
0x6e: {  	_ =	shalt  }
0x6f: {  	_ =	shalt  }
0x70: {  	_ =	shalt  }
0x71: {  	_ =	shalt  }
0x72: {  	_ =	shalt  }
0x73: {  	_ =	shalt  }
0x74: {  	_ =	shalt  }
0x75: {  	_ =	shalt  }
0x76: {  	_ =	shalt  }
0x77: {  	_ =	shalt  }
0x78: {  	_ =	shalt  }
0x79: {  	_ =	shalt  }
0x7a: {  	_ =	shalt  }
0x7b: {  	_ =	shalt  }
0x7c: {  	_ =	shalt  }
0x7d: {  	_ =	shalt  }
0x7e: {  	_ =	shalt  }
0x7f: {  	_ =	shalt  }
0x80: {  	_ =	shalt  }
0x81: {  	_ =	shalt  }
0x82: {  	_ =	shalt  }
0x83: {  	_ =	shalt  }
0x84: {  	_ =	shalt  }
0x85: {  	_ =	shalt  }
0x86: {  	_ =	shalt  }
0x87: {  	_ =	shalt  }
.Lfunc_end0:
.L_simem_size_0:
called_computation.2_lowered:
.L_overlay_start_0:
0x88: {  	s2 =	sld [smem:$0x3FD9]  }
0x89: {  	s3 =	sld [smem:$0x3FFE];
	_ =	sdelay $0x1  }
0x8a: {  	s1 =	srdreg.scid  }
0x8b: {  	s0 =	sand.u32 $0x1, s1  }
0x8c: {  	s17 =	sshll.u32 s0, $0xA;
	s2 =	sadd.s32 s3, s2  }
0x8d: {  	s2 =	sadd.s32 s2, s17  }
0x8e: {  	[smem:$0x3FAB] =	sst s2  }
0x8f: {  	_ = 	snop  }
0x90: {  	s2 =	sld [smem:$0x3FD0];
	(tm) =	ssettm $0x1  }
0x91: {  	s18 =	sld [smem:$0x3FFB];
	_ =	sdelay $0x3  }
0x92: {  	_ =	strace s18  }
0x93: {  	s3 =	sld [smem:$0x3FFC];
	_ =	sdelay $0x3  }
0x94: {  	_ =	strace s3  }
0x95: {  	s3 =	sld [smem:$0x3FFD];
	_ =	sdelay $0x3  }
0x96: {  	_ =	strace s3  }
0x97: {  	_ =	strace $0x8FFFFFFF  }
0x98: {  	s19 =	sld [smem:$0x3FDB];
	_ =	sdelay $0x1  }
0x99: {  	s4 =	simm.s32 $_scs_section_size  }
0x9a: {  	s5 =	simm.s32 $_size__tile_overlayer_lowered;
	s6 =	simm.s32 $_tile_overlayer_lowered  }
0x9b: {  	s22 =	simm.s32 $0x1BFF;
	s21 =	sshll.u32 s6, $0x1;
	s3 =	sadd.s32 s4, s19  }
0x9c: {  	s7 =	simm.s32 $0x0;
	s20 =	sshll.u32 s5, $0x1;
	s5 =	sadd.s32 s21, s3  }
0x9d: {  	[timem:s7], [sflag:s22] =	dma.local [hbm:s5], s20  }
0x9e: {  	_ =	swait.ge [sflag:s22], s20  }
0x9f: {  	s4 =	ssub.s32 $0x0, s20;
	[sflag:s22] =	ssyncset.done $0x0  }
0xa0: {  	[sflag:s22] =	ssyncadd.s32 s4;
	_ =	sdelay $0x1  }
0xa1: {  	s23 =	simm.s32 $0x1B8B  }
0xa2: {  	_ =	swait.ge [sflag:s23], $0x1  }
0xa3: {  	[sflag:s23] =	ssyncset.done $0x0  }
0xa4: {  	s25 =	simm.s32 $0x1B8E;
	s24 =	sld [smem:$0x3FFE];
	[sflag:s23] =	ssyncadd.s32 $0xFFFFFFFF  }
0xa5: {  	s26 =	simm.s32 $execute0_lowered;
	[smem:$0x3FD2] =	sst s25  }
0xa6: {  	s5 =	sshll.u32 s26, $0x1;
	_ =	strace $0x8000004C;
	[dreg:$0x1] =	wrdreg $0xFFFFFFFF  }
0xa7: {  	s28 =	simm.s32 $_size_execute0_lowered;
	s3 =	sadd.s32 s3, s5;
	[dreg:$0x0] =	wrdreg $0x0  }
0xa8: {  	s5 =	sshll.u32 s28, $0x1;
	[dreg:$0x2] =	wrdreg s3  }
0xa9: {  	[dreg:$0x3] =	wrdreg s5  }
0xaa: {  	[dreg:$0x4] =	wrdreg $0xC0  }
0xab: {  	_ =	task [dreg:s7], $0x5FFFF  }
0xac: {  	[dreg:$0x1] =	wrdreg $0xFFFFFFFF  }
0xad: {  	[dreg:$0x0] =	wrdreg $0x60  }
0xae: {  	[dreg:$0x2] =	wrdreg s2  }
0xaf: {  	[dreg:$0x3] =	wrdreg s24  }
0xb0: {  	[dreg:$0x4] =	wrdreg $0x10E000  }
0xb1: {  	[dreg:$0x5] =	wrdreg $0x9  }
0xb2: {  	_ =	task.clear_ibuf [dreg:s7], $0x6FFFF;
	_ =	strace $0x9000004C  }
0xb3: {  	s29 =	simm.s32 $0x9;
	_ =	strace $0x8000004E  }
0xb4: {  	_ =	swait.ge [sflag:s29], $0x1  }
0xb5: {  	[sflag:s29] =	ssyncadd.s32 $0xFFFFFFFF  }
0xb6: {  	_ =	strace $0x9000004E  }
0xb7: {  	_ =	sfence  }
0xb8: {  	s30 =	sld [smem:$0x0];
	_ =	sdelay $0x2  }
0xb9: {  	s31 =	sshll.u32 s1, $0xD;
	s1 =	sshrl.u32 s1, $0x2  }
0xba: {  	s3 =	sand.u32 $0x4000, s31;
	s1 =	sadd.s32 s1, s30  }
0xbb: {  	s0 =	sor.u32 s3, s0;
	s1 =	sshll.u32 s1, $0x11  }
0xbc: {  	s0 =	sor.u32 s1, s0  }
0xbd: {  	s0 =	sadd.s32 $0x8F2B, s0  }
0xbe: {  	[sflag:s0] =	ssyncadd.remote.s32 $0x1  }
0xbf: {  	_ =	sfence.sel $0xFFFF  }
0xc0: {  	[dreg:$0x0] =	wrdreg $0xFFFFFFFF;
	(pc) =	sbr.abs _section_cstart, $3  }
0xc1: {  	[dreg:$0x1] =	wrdreg $0xFFFFFFFF  }
0xc2: {  	_ =	task.clear_ibuf [dreg:s7], $0x2FFFF;
	_ =	strace $0x9FFFFFFF  }
0xc3: {  	(tm) =	ssettm $0x7FFFFFFF  }
tec
execute0_lowered:
.L_overlay_start_1:
0x0: {  	(tag) =	ssettag $0x1  }
0x1: {  	s2 =	rddreg [dreg:$0x0]  }
0x2: {  	s5 =	rddreg [dreg:$0x1]  }
0x3: {  	s3 =	rddreg [dreg:$0x2];
	s4 =	srdreg.scid  }
0x4: {  	s1 =	stileid.u32;
	s0 =	rddreg [dreg:$0x3];
	s11 =	simm.s32 $0x2  }
0x5: {  	s12 =	simm.s32 $0x2800;
	s13 =	simm.s32 $0x80;
	s14 =	simm.s32 $0x5000  }
0x6: {  	s15 =	simm.s32 $0x1;
	s6 =	sand.u32 $0x1, s4;
	s7 =	smul.u32 $0x9E00, s1  }
0x7: {  	s4 =	simm.s32 $0x0;
	s8 =	sshll.u32 s1, $0x1;
	s9 =	smul.u32 $0x9E000, s6  }
0x8: {  	s16 =	simm.s32 $0x0;
	[smem:$0x7FF] =	sst s4;
	s8 =	sor.u32 s6, s8  }
0x9: {  	s6 =	ssub.s32 $0x2, s6;
	s8 =	smul.u32 $0x500, s8;
	s9 =	sadd.s32 s7, s9  }
0xa: {  	_ =	strace $0x8000004D;
	s10 =	sshrl.u32 s6, $0x1;
	s9 =	sshrl.u32 s9, $0x3  }
0xb: {  	s10 =	ssub.s32 s6, s10;
	s8 =	sadd.s32 s8, s5;
	s9 =	sadd.s32 s9, s5  }
0xc: {  	s5 =	sadd.s32 s7, s3;
	s6 =	sadd.s32 $0xEC00, s8;
	s7 =	sadd.s32 $0x4C00, s8  }
0xd: {  	v0 =	vimm.f32 $0.0e+00;
	s8 =	sadd.s32 $0x18C00, s9;
	s9 =	smax.u32 s10, $0x1;
	s10 =	simm.s32 $0x7000  }
.LBB2_1:
0xe: {  	s18 =	simm.s32 $0x100;
	s17 =	simm.s32 $0x0  }
.LBB2_2:
0xf: {  	p0 =	sne.s32 s18, $0x27700;
	[tilespmem:s17+$0x7030] =	vst v0;
	s19 =	smov.u32 s18;
	s18 =	sadd.s32 $0x100, s18  }
.Ltmp0:
0x10: {  	[tilespmem:s17+$0x7020] =	vst v0;
	(pc) =	sbr.rel @p0 .LBB2_2-.Ltmp0, $3  }
0x11: {  	[tilespmem:s17+$0x7000] =	vst v0  }
0x12: {  	[tilespmem:s17+$0x7010] =	vst v0;
	_ =	sdelay $0x1  }
0x13: {  	s17 =	sshra.s32 s19, $0x2  }
0x14: {  	[tilespmem:s17+$0x7030] =	vst v0  }
0x15: {  	[tilespmem:s17+$0x7020] =	vst v0  }
0x16: {  	[tilespmem:s17+$0x7000] =	vst v0  }
0x17: {  	[tilespmem:s17+$0x7010] =	vst v0  }
0x18: {  	[spmem:s5] =	stream.linear.scatter [tilespmem:s10], [sflag:$0x2], $0x9E00, $0x38;
	[tilespmem:$0x1AC00] =	vst v63  }
0x19: {  	_ =	swait.ge [sflag:s11], $0x9E00  }
0x1a: {  	[sflag:s11] =	ssyncset.done $0x0  }
0x1b: {  	s29 =	simm.s32 $0x0;
	[sflag:s11] =	ssyncadd.s32 $0xFFFF6200  }
0x1c: {  	[tilespmem:s29], [sflag:$0x2] =	stream.linear.gather [hbm4b:s6+s29], $0x2800, $0x38;
	[tilespmem:$0x1AC00] =	vst v63  }
0x1d: {  	_ =	swait.ge [sflag:s11], $0x2800  }
0x1e: {  	[sflag:s11] =	ssyncset.done $0x0  }
0x1f: {  	[sflag:s11] =	ssyncadd.s32 $0xFFFFD800  }
0x20: {  	[tilespmem:s12], [sflag:$0x2] =	stream.linear.gather [hbm4b:s7+s29], $0x2800, $0x38;
	[tilespmem:$0x1AC00] =	vst v63  }
0x21: {  	_ =	swait.ge [sflag:s11], $0x2800  }
0x22: {  	[sflag:s11] =	ssyncset.done $0x0  }
0x23: {  	[sflag:s11] =	ssyncadd.s32 $0xFFFFD800  }
0x24: {  	s30 =	simm.s32 $0x0;
	[bflag:$0x0] =	sbarrier.arrive $0xFFFF  }
0x25: {  	[tilespmem:s14], [sflag:$0x1] =	stream.indirect.gather [hbm4b:s2+s13], $0x40, s30, s13, $0xb8;
	[tilespmem:$0x1AC00] =	vst v63  }
0x26: {  	_ =	swait.ge [sflag:s15], $0x2000  }
0x27: {  	[sflag:s15] =	ssyncset.done $0x0  }
0x28: {  	s31 =	simm.s32 $0x2800;
	[sflag:s15] =	ssyncadd.s32 $0xFFFFE000  }
0x29: {  	[spmem:s3] =	stream.indirect.scatter.add.f32 [tilespmem:s14], [sflag:$0x2], $0x40, s31, s13, $0xb8;
	[tilespmem:$0x1AC00] =	vst v63  }
0x2a: {  	_ =	swait.ge [sflag:s11], $0x2000  }
0x2b: {  	s17 =	simm.s32 $0x200;
	s18 =	simm.s32 $0x400;
	[sflag:s11] =	ssyncset.done $0x0  }
.LBB2_4:
0x2c: {  	s19 =	sshra.s32 s17, $0x2  }
0x2d: {  	[sflag:s11] =	ssyncadd.s32 $0xFFFFE000;
	s17 =	smov.u32 s18;
	s20 =	sadd.s32 $0x200, s18  }
0x2e: {  	[tilespmem:s14], [sflag:$0x1] =	stream.indirect.gather [hbm4b:s2+s13], $0x40, s19, s13, $0xb8;
	[tilespmem:$0x1AC00] =	vst v63  }
0x2f: {  	p0 =	sne.s32 s18, $0x9E00;
	_ =	swait.ge [sflag:s15], $0x2000  }
.Ltmp1:
0x30: {  	[sflag:s15] =	ssyncset.done $0x0;
	(pc) =	sbr.rel @p0 .LBB2_4-.Ltmp1, $4  }
0x31: {  	s18 =	sadd.s32 $0x2800, s19;
	[sflag:s15] =	ssyncadd.s32 $0xFFFFE000  }
0x32: {  	[spmem:s3] =	stream.indirect.scatter.add.f32 [tilespmem:s14], [sflag:$0x2], $0x40, s18, s13, $0xb8;
	[tilespmem:$0x1AC00] =	vst v63  }
0x33: {  	_ =	swait.ge [sflag:s11], $0x2000  }
0x34: {  	s18 =	smov.u32 s20;
	[sflag:s11] =	ssyncset.done $0x0  }
0x35: {  	s17 =	sshra.s32 s17, $0x2;
	[sflag:s11] =	ssyncadd.s32 $0xFFFFE000  }
0x36: {  	[tilespmem:s14], [sflag:$0x1] =	stream.indirect.gather [hbm4b:s2+s13], $0x40, s17, s13, $0xb8;
	[tilespmem:$0x1AC00] =	vst v63  }
0x37: {  	_ =	swait.ge [sflag:s15], $0x2000  }
0x38: {  	[sflag:s15] =	ssyncset.done $0x0  }
0x39: {  	s17 =	sadd.s32 $0x2800, s17;
	[sflag:s15] =	ssyncadd.s32 $0xFFFFE000  }
0x3a: {  	[spmem:s3] =	stream.indirect.scatter.add.f32 [tilespmem:s14], [sflag:$0x2], $0x40, s17, s13, $0xb8;
	[tilespmem:$0x1AC00] =	vst v63  }
0x3b: {  	_ =	swait.ge [sflag:s11], $0x2000  }
0x3c: {  	[sflag:s11] =	ssyncset.done $0x0  }
0x3d: {  	[sflag:s11] =	ssyncadd.s32 $0xFFFFE000  }
0x3e: {  	[bflag:$0x0] =	sbarrier.arrive $0xFFFF  }
0x3f: {  	[tilespmem:s10], [sflag:$0x2] =	stream.linear.gather [spmem:s5], $0x9E00, $0x38;
	[tilespmem:$0x1AC00] =	vst v63  }
0x40: {  	s16 =	sadd.s32 $0x1, s16;
	_ =	swait.ge [sflag:s11], $0x9E00  }
0x41: {  	p0 =	sne.s32 s16, s9;
	[sflag:s11] =	ssyncset.done $0x0  }
.Ltmp2:
0x42: {  	[sflag:s11] =	ssyncadd.s32 $0xFFFF6200;
	(pc) =	sbr.rel @p0 .LBB2_1-.Ltmp2, $4  }
0x43: {  	[hbm4b:s8+s4] =	stream.linear.scatter [tilespmem:s10], [sflag:$0x2], $0x9E00, $0x38;
	[tilespmem:$0x1AC00] =	vst v63  }
0x44: {  	_ =	swait.ge [sflag:s11], $0x9E00  }
0x45: {  	[sflag:s11] =	ssyncset.done $0x0  }
0x46: {  	[sflag:s11] =	ssyncadd.s32 $0xFFFF6200  }
0x47: {  	_ =	sfence.sel $0x180000  }
0x48: {  	[bflag:$0x0] =	sbarrier.arrive $0xFFFF  }
0x49: {  	p0 =	sne.s32 s1, $0x0;
	_ =	strace $0x9000004D  }
0x4a: {  	s0 =	sadd.s32 @!p0 $0x100000, s0;
	[bflag:$0x2] =	sbarrier.arrive $0xFFFF  }
0x4b: {  	[sflag:s0] =	ssyncadd.tile.s32 @!p0 $0x1;
	_ =	shalt  }
.Lfunc_end2:
_tile_overlayer_lowered:
.L_overlay_start_2:
0x4c: {  	(tag) =	ssettag $0x2  }
0x4d: {  	s0 =	rddreg [dreg:$0x0];
	s2 =	stileid.u32  }
0x4e: {  	s1 =	rddreg [dreg:$0x1];
	p0 =	sne.s32 s2, $0x0  }
0x4f: {  	s3 =	rddreg [dreg:$0x2];
	[bflag:$0x3] =	sbarrier.arrive $0xFFFF;
	s2 =	simm.s32 @!p0 $0x1C02  }
0x50: {  	[timem:s3], [sflag:s2] =	dma.local @!p0 [hbm:s0], s1  }
0x51: {  	s0 =	simm.s32 @!p0 $0x2  }
0x52: {  	_ =	swait.ge @!p0 [sflag:s0], s1  }
0x53: {  	s1 =	ssub.s32 @!p0 $0x0, s1;
	[sflag:s0] =	ssyncset.done @!p0 $0x0  }
0x54: {  	[sflag:s0] =	ssyncadd.s32 @!p0 s1  }
0x55: {  	[bflag:$0x3] =	sbarrier.arrive $0xFFFF  }
0x56: {  	_ =	shalt  }

// kernel: kernel.9.cloned.1.call-start
scs
__scs_entry_jumppad:
0x0: {  	(pc) =	sbr.rel $0x88, $3  }
0x1: {  	(tag) =	ssettag $0x0;
	lr =	simm.s32 $0x1  }
0x2: {  	[smem:$0x3F84] =	sst lr;
	_ =	strace $0xD0000000  }
0x3: {  	_ = 	snop  }
0x4: {  	_ = 	snop  }
0x5: {  	_ = 	snop  }
0x6: {  	_ = 	snop  }
0x7: {  	_ = 	snop  }
__scs_overlays_trampoline_lowered:
0x8: {  	[smem:$0x3F93] =	sst s0  }
0x9: {  	[smem:$0x3F94] =	sst s1  }
0xa: {  	[smem:$0x3F95] =	sst s2  }
0xb: {  	[smem:$0x3F96] =	sst s3  }
0xc: {  	[smem:$0x3F97] =	sst s4  }
0xd: {  	[smem:$0x3F98] =	sst s5  }
0xe: {  	[smem:$0x3F99] =	sst s6  }
0xf: {  	[smem:$0x3F9A] =	sst s7  }
0x10: {  	[smem:$0x3F9B] =	sst s8  }
0x11: {  	[smem:$0x3F9C] =	sst s9;
	s0 =	simm.s32 @!p0 $0x0  }
0x12: {  	s1 =	sld [smem:$0x3F82];
	s0 =	simm.s32 @p0 $0x1  }
0x13: {  	[smem:$0x3F9D] =	sst s0;
	s0 =	simm.s32 @!p1 $0x0  }
0x14: {  	s2 =	sld [smem:$0x3F81];
	s0 =	simm.s32 @p1 $0x1  }
0x15: {  	[smem:$0x3F9E] =	sst s0;
	s0 =	simm.s32 @!p2 $0x0  }
0x16: {  	s3 =	sld [smem:$0x3FDB];
	s0 =	simm.s32 @p2 $0x1  }
0x17: {  	s4 =	simm.s32 $0x1BF5;
	[smem:$0x3FA0] =	sst s0  }
0x18: {  	s0 =	sld [smem:$0x3F83];
	_ =	swait.ge [sflag:s4], $0x0  }
0x19: {  	s7 =	sld [smem:$0x3F84]  }
0x1a: {  	s8 =	sadd.s32 $0xFFFFE003, lr  }
0x1b: {  	s9 =	sadd.s32 $0xFFFFFEF7, lr;
	s5 =	simm.s32 $0xFFFFFFFF;
	p2 =	slt.u32 s8, $0xFFFFF086  }
0x1c: {  	p1 =	slt.u32 s9, $0xF7A;
	s5 =	simm.s32 @!p2 $0x0  }
0x1d: {  	s5 =	simm.s32 @p1 $0x1;
	p0 =	seq.s32 s7, s2  }
0x1e: {  	s7 =	smul.u32 @!p0 $0xF7A, s2;
	p2 =	seq.s32 @!p0 s5, $0x0  }
0x1f: {  	s9 =	smul.u32 $0xF7A, s1;
	s8 =	simm.s32 @!p0 $0x1BF5;
	p2 =	por !p2, p0  }
0x20: {  	[sflag:s8] =	ssyncset.s32 @!p0 $0xFFFFF086;
	s6 =	sadd.s32 @!p0 s3, s7;
	s7 =	simm.s32 @!p0 $0x108  }
0x21: {  	s3 =	sadd.s32 s3, s9;
	s6 =	sadd.s32 @!p0 $0x88, s6;
	s7 =	simm.s32 @p2 $0x1082  }
0x22: {  	[simem:s7], [sflag:s8] =	dma.local @!p0 [hbm:s6], $0xF7A  }
0x23: {  	s9 =	sor.u32 $0xD0000000, s2;
	s6 =	simm.s32 $0x108;
	_ =	swait.ge @!p0 [sflag:s8], $0x0  }
0x24: {  	s3 =	sadd.s32 $0x88, s3;
	s6 =	simm.s32 @!p1 $0x1082;
	[sflag:s4] =	ssyncset.s32 $0xFFFFF086  }
0x25: {  	[simem:s6], [sflag:s4] =	dma.local [hbm:s3], $0xF7A  }
0x26: {  	[smem:$0x3F84] =	sst s1;
	(tag) =	ssettag s2;
	_ =	strace s9  }
0x27: {  	s1 =	sld [smem:$0x3F94]  }
0x28: {  	s2 =	sld [smem:$0x3F95]  }
0x29: {  	s4 =	sld [smem:$0x3F97]  }
0x2a: {  	p0 =	seq.s32 s5, $0x0;
	s5 =	sld [smem:$0x3F98]  }
0x2b: {  	s6 =	sld [smem:$0x3F99]  }
0x2c: {  	s7 =	sld [smem:$0x3F9A]  }
0x2d: {  	s3 =	simm.s32 $0x108;
	s8 =	sld [smem:$0x3F9B]  }
0x2e: {  	s3 =	simm.s32 @!p0 $0x1082;
	s9 =	sld [smem:$0x3F9C]  }
0x2f: {  	lr =	sadd.s32 s0, s3;
	s0 =	sld [smem:$0x3F93]  }
0x30: {  	s3 =	sld [smem:$0x3F96]  }
0x31: {  	[smem:$0x3F9F] =	sst s10  }
0x32: {  	s10 =	sld [smem:$0x3F9D];
	_ =	sdelay $0x3  }
0x33: {  	p0 =	seq.s32 s10, $0x1;
	s10 =	sld [smem:$0x3F9F];
	_ =	sdelay $0x3  }
0x34: {  	[smem:$0x3F9F] =	sst s10  }
0x35: {  	s10 =	sld [smem:$0x3F9E];
	_ =	sdelay $0x3  }
0x36: {  	p1 =	seq.s32 s10, $0x1;
	s10 =	sld [smem:$0x3F9F];
	_ =	sdelay $0x3  }
0x37: {  	[smem:$0x3F9F] =	sst s10  }
0x38: {  	s10 =	sld [smem:$0x3FA0]  }
0x39: {  	_ = 	snop;
	(pc) =	sbr.ind lr, $3  }
0x3a: {  	_ = 	snop  }
0x3b: {  	_ = 	snop  }
0x3c: {  	p2 =	seq.s32 s10, $0x1;
	s10 =	sld [smem:$0x3F9F]  }
0x3d: {  	_ =	shalt  }
0x3e: {  	_ =	shalt  }
0x3f: {  	_ =	shalt  }
0x40: {  	_ =	shalt  }
0x41: {  	_ =	shalt  }
0x42: {  	_ =	shalt  }
0x43: {  	_ =	shalt  }
0x44: {  	_ =	shalt  }
0x45: {  	_ =	shalt  }
0x46: {  	_ =	shalt  }
0x47: {  	_ =	shalt  }
0x48: {  	_ =	shalt  }
0x49: {  	_ =	shalt  }
0x4a: {  	_ =	shalt  }
0x4b: {  	_ =	shalt  }
0x4c: {  	_ =	shalt  }
0x4d: {  	_ =	shalt  }
0x4e: {  	_ =	shalt  }
0x4f: {  	_ =	shalt  }
0x50: {  	_ =	shalt  }
0x51: {  	_ =	shalt  }
0x52: {  	_ =	shalt  }
0x53: {  	_ =	shalt  }
0x54: {  	_ =	shalt  }
0x55: {  	_ =	shalt  }
0x56: {  	_ =	shalt  }
0x57: {  	_ =	shalt  }
0x58: {  	_ =	shalt  }
0x59: {  	_ =	shalt  }
0x5a: {  	_ =	shalt  }
0x5b: {  	_ =	shalt  }
0x5c: {  	_ =	shalt  }
0x5d: {  	_ =	shalt  }
0x5e: {  	_ =	shalt  }
0x5f: {  	_ =	shalt  }
0x60: {  	_ =	shalt  }
0x61: {  	_ =	shalt  }
0x62: {  	_ =	shalt  }
0x63: {  	_ =	shalt  }
0x64: {  	_ =	shalt  }
0x65: {  	_ =	shalt  }
0x66: {  	_ =	shalt  }
0x67: {  	_ =	shalt  }
0x68: {  	_ =	shalt  }
0x69: {  	_ =	shalt  }
0x6a: {  	_ =	shalt  }
0x6b: {  	_ =	shalt  }
0x6c: {  	_ =	shalt  }
0x6d: {  	_ =	shalt  }
0x6e: {  	_ =	shalt  }
0x6f: {  	_ =	shalt  }
0x70: {  	_ =	shalt  }
0x71: {  	_ =	shalt  }
0x72: {  	_ =	shalt  }
0x73: {  	_ =	shalt  }
0x74: {  	_ =	shalt  }
0x75: {  	_ =	shalt  }
0x76: {  	_ =	shalt  }
0x77: {  	_ =	shalt  }
0x78: {  	_ =	shalt  }
0x79: {  	_ =	shalt  }
0x7a: {  	_ =	shalt  }
0x7b: {  	_ =	shalt  }
0x7c: {  	_ =	shalt  }
0x7d: {  	_ =	shalt  }
0x7e: {  	_ =	shalt  }
0x7f: {  	_ =	shalt  }
0x80: {  	_ =	shalt  }
0x81: {  	_ =	shalt  }
0x82: {  	_ =	shalt  }
0x83: {  	_ =	shalt  }
0x84: {  	_ =	shalt  }
0x85: {  	_ =	shalt  }
0x86: {  	_ =	shalt  }
0x87: {  	_ =	shalt  }
.Lfunc_end0:
.L_simem_size_0:
called_computation_lowered:
.L_overlay_start_0:
0x88: {  	s2 =	sld [smem:$0x3FD9]  }
0x89: {  	s3 =	sld [smem:$0x3FFE];
	_ =	sdelay $0x1  }
0x8a: {  	s1 =	srdreg.scid  }
0x8b: {  	s0 =	sand.u32 $0x1, s1  }
0x8c: {  	s17 =	sshll.u32 s0, $0xA;
	s2 =	sadd.s32 s3, s2  }
0x8d: {  	s2 =	sadd.s32 s2, s17  }
0x8e: {  	[smem:$0x3FAB] =	sst s2  }
0x8f: {  	_ = 	snop  }
0x90: {  	s2 =	sld [smem:$0x3FD0];
	(tm) =	ssettm $0x1  }
0x91: {  	s18 =	sld [smem:$0x3FFB];
	_ =	sdelay $0x3  }
0x92: {  	_ =	strace s18  }
0x93: {  	s3 =	sld [smem:$0x3FFC];
	_ =	sdelay $0x3  }
0x94: {  	_ =	strace s3  }
0x95: {  	s3 =	sld [smem:$0x3FFD];
	_ =	sdelay $0x3  }
0x96: {  	_ =	strace s3  }
0x97: {  	_ =	strace $0x8FFFFFFF  }
0x98: {  	s19 =	sld [smem:$0x3FDB];
	_ =	sdelay $0x1  }
0x99: {  	s4 =	simm.s32 $_scs_section_size  }
0x9a: {  	s5 =	simm.s32 $_size__tile_overlayer_lowered;
	s6 =	simm.s32 $_tile_overlayer_lowered  }
0x9b: {  	s22 =	simm.s32 $0x1BFF;
	s21 =	sshll.u32 s6, $0x1;
	s3 =	sadd.s32 s4, s19  }
0x9c: {  	s7 =	simm.s32 $0x0;
	s20 =	sshll.u32 s5, $0x1;
	s5 =	sadd.s32 s21, s3  }
0x9d: {  	[timem:s7], [sflag:s22] =	dma.local [hbm:s5], s20  }
0x9e: {  	_ =	swait.ge [sflag:s22], s20  }
0x9f: {  	s4 =	ssub.s32 $0x0, s20;
	[sflag:s22] =	ssyncset.done $0x0  }
0xa0: {  	[sflag:s22] =	ssyncadd.s32 s4;
	_ =	sdelay $0x1  }
0xa1: {  	s23 =	simm.s32 $0x1B8B  }
0xa2: {  	_ =	swait.ge [sflag:s23], $0x1  }
0xa3: {  	[sflag:s23] =	ssyncset.done $0x0  }
0xa4: {  	s25 =	simm.s32 $0x1B8E;
	s24 =	sld [smem:$0x3FFE];
	[sflag:s23] =	ssyncadd.s32 $0xFFFFFFFF  }
0xa5: {  	s26 =	simm.s32 $execute0_lowered;
	[smem:$0x3FD2] =	sst s25  }
0xa6: {  	s5 =	sshll.u32 s26, $0x1;
	_ =	strace $0x80000046;
	[dreg:$0x1] =	wrdreg $0xFFFFFFFF  }
0xa7: {  	s28 =	simm.s32 $_size_execute0_lowered;
	s3 =	sadd.s32 s3, s5;
	[dreg:$0x0] =	wrdreg $0x0  }
0xa8: {  	s5 =	sshll.u32 s28, $0x1;
	[dreg:$0x2] =	wrdreg s3  }
0xa9: {  	[dreg:$0x3] =	wrdreg s5  }
0xaa: {  	[dreg:$0x4] =	wrdreg $0xC0  }
0xab: {  	_ =	task [dreg:s7], $0x5FFFF  }
0xac: {  	[dreg:$0x1] =	wrdreg $0xFFFFFFFF  }
0xad: {  	[dreg:$0x0] =	wrdreg $0x60  }
0xae: {  	[dreg:$0x2] =	wrdreg s2  }
0xaf: {  	[dreg:$0x3] =	wrdreg s24  }
0xb0: {  	[dreg:$0x4] =	wrdreg $0x10E000  }
0xb1: {  	[dreg:$0x5] =	wrdreg $0x9  }
0xb2: {  	_ =	task.clear_ibuf [dreg:s7], $0x6FFFF;
	_ =	strace $0x90000046  }
0xb3: {  	s29 =	simm.s32 $0x9;
	_ =	strace $0x80000048  }
0xb4: {  	_ =	swait.ge [sflag:s29], $0x1  }
0xb5: {  	[sflag:s29] =	ssyncadd.s32 $0xFFFFFFFF  }
0xb6: {  	_ =	strace $0x90000048  }
0xb7: {  	_ =	sfence  }
0xb8: {  	s30 =	sld [smem:$0x0];
	_ =	sdelay $0x2  }
0xb9: {  	s31 =	sshll.u32 s1, $0xD;
	s1 =	sshrl.u32 s1, $0x2  }
0xba: {  	s3 =	sand.u32 $0x4000, s31;
	s1 =	sadd.s32 s1, s30  }
0xbb: {  	s0 =	sor.u32 s3, s0;
	s1 =	sshll.u32 s1, $0x11  }
0xbc: {  	s0 =	sor.u32 s1, s0  }
0xbd: {  	s0 =	sadd.s32 $0x8F2B, s0  }
0xbe: {  	[sflag:s0] =	ssyncadd.remote.s32 $0x1  }
0xbf: {  	_ =	sfence.sel $0xFFFF  }
0xc0: {  	[dreg:$0x0] =	wrdreg $0xFFFFFFFF;
	(pc) =	sbr.abs _section_cstart, $3  }
0xc1: {  	[dreg:$0x1] =	wrdreg $0xFFFFFFFF  }
0xc2: {  	_ =	task.clear_ibuf [dreg:s7], $0x2FFFF;
	_ =	strace $0x9FFFFFFF  }
0xc3: {  	(tm) =	ssettm $0x7FFFFFFF  }
tec
execute0_lowered:
.L_overlay_start_1:
0x0: {  	(tag) =	ssettag $0x1  }
0x1: {  	s2 =	rddreg [dreg:$0x0]  }
0x2: {  	s5 =	rddreg [dreg:$0x1]  }
0x3: {  	s3 =	rddreg [dreg:$0x2];
	s4 =	srdreg.scid  }
0x4: {  	s1 =	stileid.u32;
	s0 =	rddreg [dreg:$0x3];
	s11 =	simm.s32 $0x2  }
0x5: {  	s12 =	simm.s32 $0x2800;
	s13 =	simm.s32 $0x80;
	s14 =	simm.s32 $0x5000  }
0x6: {  	s15 =	simm.s32 $0x1;
	s6 =	sand.u32 $0x1, s4;
	s7 =	smul.u32 $0x9E00, s1  }
0x7: {  	s4 =	simm.s32 $0x0;
	s8 =	sshll.u32 s1, $0x1;
	s9 =	smul.u32 $0x9E000, s6  }
0x8: {  	s16 =	simm.s32 $0x0;
	[smem:$0x7FF] =	sst s4;
	s8 =	sor.u32 s6, s8  }
0x9: {  	s6 =	ssub.s32 $0x2, s6;
	s8 =	smul.u32 $0x500, s8;
	s9 =	sadd.s32 s7, s9  }
0xa: {  	_ =	strace $0x80000047;
	s10 =	sshrl.u32 s6, $0x1;
	s9 =	sshrl.u32 s9, $0x3  }
0xb: {  	s10 =	ssub.s32 s6, s10;
	s8 =	sadd.s32 s8, s5;
	s9 =	sadd.s32 s9, s5  }
0xc: {  	s5 =	sadd.s32 s7, s3;
	s6 =	sadd.s32 $0xEC00, s8;
	s7 =	sadd.s32 $0x4C00, s8  }
0xd: {  	v0 =	vimm.f32 $0.0e+00;
	s8 =	sadd.s32 $0x18C00, s9;
	s9 =	smax.u32 s10, $0x1;
	s10 =	simm.s32 $0x7000  }
.LBB2_1:
0xe: {  	s18 =	simm.s32 $0x100;
	s17 =	simm.s32 $0x0  }
.LBB2_2:
0xf: {  	p0 =	sne.s32 s18, $0x27700;
	[tilespmem:s17+$0x7030] =	vst v0;
	s19 =	smov.u32 s18;
	s18 =	sadd.s32 $0x100, s18  }
.Ltmp0:
0x10: {  	[tilespmem:s17+$0x7020] =	vst v0;
	(pc) =	sbr.rel @p0 .LBB2_2-.Ltmp0, $3  }
0x11: {  	[tilespmem:s17+$0x7000] =	vst v0  }
0x12: {  	[tilespmem:s17+$0x7010] =	vst v0;
	_ =	sdelay $0x1  }
0x13: {  	s17 =	sshra.s32 s19, $0x2  }
0x14: {  	[tilespmem:s17+$0x7030] =	vst v0  }
0x15: {  	[tilespmem:s17+$0x7020] =	vst v0  }
0x16: {  	[tilespmem:s17+$0x7000] =	vst v0  }
0x17: {  	[tilespmem:s17+$0x7010] =	vst v0  }
0x18: {  	[spmem:s5] =	stream.linear.scatter [tilespmem:s10], [sflag:$0x2], $0x9E00, $0x38;
	[tilespmem:$0x1AC00] =	vst v63  }
0x19: {  	_ =	swait.ge [sflag:s11], $0x9E00  }
0x1a: {  	[sflag:s11] =	ssyncset.done $0x0  }
0x1b: {  	s29 =	simm.s32 $0x0;
	[sflag:s11] =	ssyncadd.s32 $0xFFFF6200  }
0x1c: {  	[tilespmem:s29], [sflag:$0x2] =	stream.linear.gather [hbm4b:s6+s29], $0x2800, $0x38;
	[tilespmem:$0x1AC00] =	vst v63  }
0x1d: {  	_ =	swait.ge [sflag:s11], $0x2800  }
0x1e: {  	[sflag:s11] =	ssyncset.done $0x0  }
0x1f: {  	[sflag:s11] =	ssyncadd.s32 $0xFFFFD800  }
0x20: {  	[tilespmem:s12], [sflag:$0x2] =	stream.linear.gather [hbm4b:s7+s29], $0x2800, $0x38;
	[tilespmem:$0x1AC00] =	vst v63  }
0x21: {  	_ =	swait.ge [sflag:s11], $0x2800  }
0x22: {  	[sflag:s11] =	ssyncset.done $0x0  }
0x23: {  	[sflag:s11] =	ssyncadd.s32 $0xFFFFD800  }
0x24: {  	s30 =	simm.s32 $0x0;
	[bflag:$0x0] =	sbarrier.arrive $0xFFFF  }
0x25: {  	[tilespmem:s14], [sflag:$0x1] =	stream.indirect.gather [hbm4b:s2+s13], $0x40, s30, s13, $0xb8;
	[tilespmem:$0x1AC00] =	vst v63  }
0x26: {  	_ =	swait.ge [sflag:s15], $0x2000  }
0x27: {  	[sflag:s15] =	ssyncset.done $0x0  }
0x28: {  	s31 =	simm.s32 $0x2800;
	[sflag:s15] =	ssyncadd.s32 $0xFFFFE000  }
0x29: {  	[spmem:s3] =	stream.indirect.scatter.add.f32 [tilespmem:s14], [sflag:$0x2], $0x40, s31, s13, $0xb8;
	[tilespmem:$0x1AC00] =	vst v63  }
0x2a: {  	_ =	swait.ge [sflag:s11], $0x2000  }
0x2b: {  	s17 =	simm.s32 $0x200;
	s18 =	simm.s32 $0x400;
	[sflag:s11] =	ssyncset.done $0x0  }
.LBB2_4:
0x2c: {  	s19 =	sshra.s32 s17, $0x2  }
0x2d: {  	[sflag:s11] =	ssyncadd.s32 $0xFFFFE000;
	s17 =	smov.u32 s18;
	s20 =	sadd.s32 $0x200, s18  }
0x2e: {  	[tilespmem:s14], [sflag:$0x1] =	stream.indirect.gather [hbm4b:s2+s13], $0x40, s19, s13, $0xb8;
	[tilespmem:$0x1AC00] =	vst v63  }
0x2f: {  	p0 =	sne.s32 s18, $0x9E00;
	_ =	swait.ge [sflag:s15], $0x2000  }
.Ltmp1:
0x30: {  	[sflag:s15] =	ssyncset.done $0x0;
	(pc) =	sbr.rel @p0 .LBB2_4-.Ltmp1, $4  }
0x31: {  	s18 =	sadd.s32 $0x2800, s19;
	[sflag:s15] =	ssyncadd.s32 $0xFFFFE000  }
0x32: {  	[spmem:s3] =	stream.indirect.scatter.add.f32 [tilespmem:s14], [sflag:$0x2], $0x40, s18, s13, $0xb8;
	[tilespmem:$0x1AC00] =	vst v63  }
0x33: {  	_ =	swait.ge [sflag:s11], $0x2000  }
0x34: {  	s18 =	smov.u32 s20;
	[sflag:s11] =	ssyncset.done $0x0  }
0x35: {  	s17 =	sshra.s32 s17, $0x2;
	[sflag:s11] =	ssyncadd.s32 $0xFFFFE000  }
0x36: {  	[tilespmem:s14], [sflag:$0x1] =	stream.indirect.gather [hbm4b:s2+s13], $0x40, s17, s13, $0xb8;
	[tilespmem:$0x1AC00] =	vst v63  }
0x37: {  	_ =	swait.ge [sflag:s15], $0x2000  }
0x38: {  	[sflag:s15] =	ssyncset.done $0x0  }
0x39: {  	s17 =	sadd.s32 $0x2800, s17;
	[sflag:s15] =	ssyncadd.s32 $0xFFFFE000  }
0x3a: {  	[spmem:s3] =	stream.indirect.scatter.add.f32 [tilespmem:s14], [sflag:$0x2], $0x40, s17, s13, $0xb8;
	[tilespmem:$0x1AC00] =	vst v63  }
0x3b: {  	_ =	swait.ge [sflag:s11], $0x2000  }
0x3c: {  	[sflag:s11] =	ssyncset.done $0x0  }
0x3d: {  	[sflag:s11] =	ssyncadd.s32 $0xFFFFE000  }
0x3e: {  	[bflag:$0x0] =	sbarrier.arrive $0xFFFF  }
0x3f: {  	[tilespmem:s10], [sflag:$0x2] =	stream.linear.gather [spmem:s5], $0x9E00, $0x38;
	[tilespmem:$0x1AC00] =	vst v63  }
0x40: {  	s16 =	sadd.s32 $0x1, s16;
	_ =	swait.ge [sflag:s11], $0x9E00  }
0x41: {  	p0 =	sne.s32 s16, s9;
	[sflag:s11] =	ssyncset.done $0x0  }
.Ltmp2:
0x42: {  	[sflag:s11] =	ssyncadd.s32 $0xFFFF6200;
	(pc) =	sbr.rel @p0 .LBB2_1-.Ltmp2, $4  }
0x43: {  	[hbm4b:s8+s4] =	stream.linear.scatter [tilespmem:s10], [sflag:$0x2], $0x9E00, $0x38;
	[tilespmem:$0x1AC00] =	vst v63  }
0x44: {  	_ =	swait.ge [sflag:s11], $0x9E00  }
0x45: {  	[sflag:s11] =	ssyncset.done $0x0  }
0x46: {  	[sflag:s11] =	ssyncadd.s32 $0xFFFF6200  }
0x47: {  	_ =	sfence.sel $0x180000  }
0x48: {  	[bflag:$0x0] =	sbarrier.arrive $0xFFFF  }
0x49: {  	p0 =	sne.s32 s1, $0x0;
	_ =	strace $0x90000047  }
0x4a: {  	s0 =	sadd.s32 @!p0 $0x100000, s0;
	[bflag:$0x2] =	sbarrier.arrive $0xFFFF  }
0x4b: {  	[sflag:s0] =	ssyncadd.tile.s32 @!p0 $0x1;
	_ =	shalt  }
.Lfunc_end2:
_tile_overlayer_lowered:
.L_overlay_start_2:
0x4c: {  	(tag) =	ssettag $0x2  }
0x4d: {  	s0 =	rddreg [dreg:$0x0];
	s2 =	stileid.u32  }
0x4e: {  	s1 =	rddreg [dreg:$0x1];
	p0 =	sne.s32 s2, $0x0  }
0x4f: {  	s3 =	rddreg [dreg:$0x2];
	[bflag:$0x3] =	sbarrier.arrive $0xFFFF;
	s2 =	simm.s32 @!p0 $0x1C02  }
0x50: {  	[timem:s3], [sflag:s2] =	dma.local @!p0 [hbm:s0], s1  }
0x51: {  	s0 =	simm.s32 @!p0 $0x2  }
0x52: {  	_ =	swait.ge @!p0 [sflag:s0], s1  }
0x53: {  	s1 =	ssub.s32 @!p0 $0x0, s1;
	[sflag:s0] =	ssyncset.done @!p0 $0x0  }
0x54: {  	[sflag:s0] =	ssyncadd.s32 @!p0 s1  }
0x55: {  	[bflag:$0x3] =	sbarrier.arrive $0xFFFF  }
0x56: {  	_ =	shalt  }

</sc_bundles>
